<compile_context>
chip_gen: v7x
topology: tpu7x:2x2x1
jax: 0.10.2.dev20260603
libtpu: 0.0.44.dev20260713+nightly
codegen_flags: <defaults>
</compile_context>

<pallas_src>
import jax
import jax.numpy as jnp
from jax import lax
from jax.experimental import pallas as pl
from jax.experimental.pallas import tpu as pltpu
from jax.experimental.pallas import tpu_sc as plsc

_N = 4096
_K = 64
_L = 16
_NC = 2
_NS = 16
_NW = _NC * _NS
_ROWS_PER_W = _N // _NW
_RING = 4
_CHUNK = 4
_NCHUNKS = _ROWS_PER_W // _CHUNK
_NGROUPS = _NCHUNKS // _RING


def _scatter_vals(idx_v, val_v, base, buf):
    for r in range(_CHUNK):
        for j in range(_K // _L):
            o = r * _K + j * _L
            iv = idx_v[pl.ds(base + o, _L)] + r * _N
            plsc.store_scatter(buf, [iv], val_v[pl.ds(base + o, _L)])


def _scatter_zeros(idx_v, base, buf, zeros):
    for r in range(_CHUNK):
        for j in range(_K // _L):
            o = r * _K + j * _L
            iv = idx_v[pl.ds(base + o, _L)] + r * _N
            plsc.store_scatter(buf, [iv], zeros)


def _body(val_hbm, idx_hbm, out_hbm, idx_all, val_all, *rest):
    bufs, sems = rest[:_RING], rest[_RING:]
    wid = lax.axis_index("s") * _NC + lax.axis_index("c")
    zeros = jnp.zeros((_L,), jnp.float32)
    wrow0 = wid * _ROWS_PER_W

    pltpu.async_copy(
        idx_hbm.at[pl.ds(wrow0 * _K, _ROWS_PER_W * _K)], idx_all, sems[0])
    pltpu.async_copy(
        val_hbm.at[pl.ds(wrow0 * _K, _ROWS_PER_W * _K)], val_all, sems[1])

    def _z(j, carry):
        for b in bufs:
            b[pl.ds(j * _L, _L)] = zeros
        return carry
    lax.fori_loop(0, _CHUNK * _N // _L, _z, None)

    pltpu.make_async_copy(
        idx_hbm.at[pl.ds(wrow0 * _K, _ROWS_PER_W * _K)], idx_all, sems[0]).wait()
    pltpu.make_async_copy(
        val_hbm.at[pl.ds(wrow0 * _K, _ROWS_PER_W * _K)], val_all, sems[1]).wait()

    def _group(i, carry):
        for c_off in range(_RING):
            buf, sem = bufs[c_off], sems[c_off]
            c = _RING * i + c_off
            row0 = wrow0 + c * _CHUNK
            base = c * _CHUNK * _K

            @pl.when(i > 0)
            def _drain():
                prev0 = row0 - _RING * _CHUNK
                pltpu.make_async_copy(
                    buf, out_hbm.at[pl.ds(prev0 * _N, _CHUNK * _N)], sem).wait()
                _scatter_zeros(idx_all, base - _RING * _CHUNK * _K, buf, zeros)

            _scatter_vals(idx_all, val_all, base, buf)
            pltpu.async_copy(
                buf, out_hbm.at[pl.ds(row0 * _N, _CHUNK * _N)], sem)
        return carry
    lax.fori_loop(0, _NGROUPS, _group, None)

    for c_off in range(_RING):
        c = _NCHUNKS - _RING + c_off
        row0 = wrow0 + c * _CHUNK
        pltpu.make_async_copy(
            bufs[c_off], out_hbm.at[pl.ds(row0 * _N, _CHUNK * _N)],
            sems[c_off]).wait()


@jax.jit
def kernel(adjacency_values, neighbor_indices):
    mesh = plsc.VectorSubcoreMesh(
        core_axis_name="c", subcore_axis_name="s",
        num_cores=_NC, num_subcores=_NS)
    run = pl.kernel(
        _body,
        out_type=jax.ShapeDtypeStruct((_N * _N,), jnp.float32),
        mesh=mesh,
        scratch_types=(
            [pltpu.VMEM((_ROWS_PER_W * _K,), jnp.int32),
             pltpu.VMEM((_ROWS_PER_W * _K,), jnp.float32)]
            + [pltpu.VMEM((_CHUNK * _N,), jnp.float32) for _ in range(_RING)]
            + [pltpu.SemaphoreType.DMA for _ in range(_RING)]
        ),
        compiler_params=pltpu.CompilerParams(needs_layout_passes=False),
    )
    out = run(adjacency_values.reshape(-1), neighbor_indices.reshape(-1))
    return out.reshape(_N, _N)

# --- scband reference (transcript-rebuilt; emitter-appended) ---
"""Pipeline reference for scband-learnable-sparse-adjacency-6098853560443 (READ-ONLY COPY).

The authoritative reference and input builder live on the scoring server;
editing this copy changes nothing except your own understanding.
"""

import jax, jax.numpy as jnp
import numpy as np

N = 4096
K = 64
GH = 64
GW = 64
SCALE = 50.0


def _build_buffers():
    # patch coordinates on the (GH, GW) grid, matching torch.meshgrid indexing='ij'
    h = jnp.arange(GH, dtype=jnp.float32)
    w = jnp.arange(GW, dtype=jnp.float32)
    mh, mw = jnp.meshgrid(h, w, indexing='ij')
    coords = jnp.stack([mh.reshape(-1), mw.reshape(-1)], axis=1)  # [N, 2]

    # pairwise Euclidean distances (||a||^2 + ||b||^2 - 2ab expansion to avoid [N,N,2] temp)
    sq = jnp.sum(coords * coords, axis=1)
    d2 = sq[:, None] + sq[None, :] - 2.0 * (coords @ coords.T)
    d2 = jnp.maximum(d2, 0.0)
    dist = jnp.sqrt(d2)

    # K nearest neighbors per patch (smallest distances)
    _, idx = jax.lax.top_k(-dist, K)
    neighbor_indices = idx.astype(jnp.int32)  # [N, K]

    # distance-based initialization of the learnable adjacency values
    coords_nb = coords[neighbor_indices]  # [N, K, 2]
    diff = coords_nb - coords[:, None, :]
    dnb = jnp.sqrt(jnp.sum(diff * diff, axis=-1))  # [N, K]
    adjacency_values = jnp.exp(-dnb / SCALE)  # [N, K] learnable parameter
    return adjacency_values, neighbor_indices


def setup_inputs() -> dict:
    adjacency_values, neighbor_indices = _build_buffers()
    return {
        "adjacency_values": adjacency_values,
        "neighbor_indices": neighbor_indices,
    }


def reference(adjacency_values, neighbor_indices):
    # forward(): scatter [N, K] learned values into dense [N, N] adjacency
    # torch loop:  adjacency_full[i, neighbor_indices[i]] = adjacency_values[i]
    rows = jnp.arange(N, dtype=jnp.int32)[:, None]  # [N, 1] broadcasts against [N, K]
    adjacency_full = jnp.zeros((N, N), dtype=adjacency_values.dtype)
    adjacency_full = adjacency_full.at[rows, neighbor_indices].set(adjacency_values)
    return adjacency_full

if __name__ == "__main__":
    import jax
    _d = setup_inputs()
    print(jax.jit(kernel)(*tuple(_d.values())))

</pallas_src>

<mosaic_0001>
#map = affine_map<(d0, d1) -> (0)>
module attributes {stable_mosaic.version = 14 : i64} {
  func.func @_body(%arg0: i32, %arg1: i32, %arg2: memref<262144xf32, #tpu.memory_space<hbm>>, %arg3: memref<262144xi32, #tpu.memory_space<hbm>>, %arg4: memref<16777216xf32, #tpu.memory_space<hbm>>, %arg5: memref<8192xi32, #tpu.memory_space<vmem>>, %arg6: memref<8192xf32, #tpu.memory_space<vmem>>, %arg7: memref<16384xf32, #tpu.memory_space<vmem>>, %arg8: memref<16384xf32, #tpu.memory_space<vmem>>, %arg9: memref<16384xf32, #tpu.memory_space<vmem>>, %arg10: memref<16384xf32, #tpu.memory_space<vmem>>, %arg11: memref<!tpu.dma_semaphore, #tpu.memory_space<semaphore_mem>>, %arg12: memref<!tpu.dma_semaphore, #tpu.memory_space<semaphore_mem>>, %arg13: memref<!tpu.dma_semaphore, #tpu.memory_space<semaphore_mem>>, %arg14: memref<!tpu.dma_semaphore, #tpu.memory_space<semaphore_mem>>) attributes {dimension_semantics = [#tpu.dimension_semantics<core_parallel>, #tpu.dimension_semantics<subcore_parallel>], iteration_bounds = array<i64: 2, 16>, scalar_prefetch = 0 : i64, scratch_operands = 10 : i64, tpu.core_type = #tpu.core_type<sc_vector_subcore>, window_params = [{transform_indices = #map}, {transform_indices = #map}, {transform_indices = #map}]} {
    %mul3A = arith.constant 2 : i32
    %mul3A_0 = arith.muli %arg1, %mul3A : i32
    %add3A = arith.addi %mul3A_0, %arg0 : i32
    %broadcast_in_dim3A = arith.constant 0.000000e+00 : f32
    %broadcast_in_dim3A_1 = vector.broadcast %broadcast_in_dim3A : f32 to vector<16xf32>
    %mul3A_2 = arith.constant 128 : i32
    %mul3A_3 = arith.muli %add3A, %mul3A_2 : i32
    %mul3A_4 = arith.constant 64 : i32
    %mul3A_5 = arith.muli %mul3A_3, %mul3A_4 : i32
    %dma_start3A = tpu.memref_slice %arg3[%mul3A_5] : memref<262144xi32, #tpu.memory_space<hbm>> -> memref<8192xi32, #tpu.memory_space<hbm>>
    %dma_start3A_6 = tpu.memref_slice %arg3[%mul3A_5] : memref<262144xi32, #tpu.memory_space<hbm>> -> memref<8192xi32, #tpu.memory_space<hbm>>
    tpu.enqueue_dma source(%dma_start3A_6 : memref<8192xi32, #tpu.memory_space<hbm>>) target(%arg5 : memref<8192xi32, #tpu.memory_space<vmem>>) target_semaphore(%arg11 : memref<!tpu.dma_semaphore, #tpu.memory_space<semaphore_mem>>)
    %mul3A_7 = arith.constant 64 : i32
    %mul3A_8 = arith.muli %mul3A_3, %mul3A_7 : i32
    %dma_start3A_9 = tpu.memref_slice %arg2[%mul3A_8] : memref<262144xf32, #tpu.memory_space<hbm>> -> memref<8192xf32, #tpu.memory_space<hbm>>
    %dma_start3A_10 = tpu.memref_slice %arg2[%mul3A_8] : memref<262144xf32, #tpu.memory_space<hbm>> -> memref<8192xf32, #tpu.memory_space<hbm>>
    tpu.enqueue_dma source(%dma_start3A_10 : memref<8192xf32, #tpu.memory_space<hbm>>) target(%arg6 : memref<8192xf32, #tpu.memory_space<vmem>>) target_semaphore(%arg12 : memref<!tpu.dma_semaphore, #tpu.memory_space<semaphore_mem>>)
    %scan3A = arith.constant 0 : i32
    %scan3A_11 = arith.constant 1024 : i32
    %scan3A_12 = arith.addi %scan3A, %scan3A_11 : i32
    %scan3A_13 = arith.constant 1 : i32
    scf.for %scan3A_51 = %scan3A to %scan3A_12 step %scan3A_13  : i32 {
      %mul3A_52 = arith.constant 16 : i32
      %mul3A_53 = arith.muli %scan3A_51, %mul3A_52 : i32
      %swap3A = arith.index_cast %mul3A_53 : i32 to index
      %swap3A_54 = tpu.vector_load %arg7[%swap3A] {strides = array<i32>} : memref<16384xf32, #tpu.memory_space<vmem>>, vector<16xf32>,
      tpu.vector_store %arg7[%swap3A], %broadcast_in_dim3A_1 {strides = array<i32>} : memref<16384xf32, #tpu.memory_space<vmem>>, vector<16xf32>,
      %mul3A_55 = arith.constant 16 : i32
      %mul3A_56 = arith.muli %scan3A_51, %mul3A_55 : i32
      %swap3A_57 = arith.index_cast %mul3A_56 : i32 to index
      %swap3A_58 = tpu.vector_load %arg8[%swap3A_57] {strides = array<i32>} : memref<16384xf32, #tpu.memory_space<vmem>>, vector<16xf32>,
      tpu.vector_store %arg8[%swap3A_57], %broadcast_in_dim3A_1 {strides = array<i32>} : memref<16384xf32, #tpu.memory_space<vmem>>, vector<16xf32>,
      %mul3A_59 = arith.constant 16 : i32
      %mul3A_60 = arith.muli %scan3A_51, %mul3A_59 : i32
      %swap3A_61 = arith.index_cast %mul3A_60 : i32 to index
      %swap3A_62 = tpu.vector_load %arg9[%swap3A_61] {strides = array<i32>} : memref<16384xf32, #tpu.memory_space<vmem>>, vector<16xf32>,
      tpu.vector_store %arg9[%swap3A_61], %broadcast_in_dim3A_1 {strides = array<i32>} : memref<16384xf32, #tpu.memory_space<vmem>>, vector<16xf32>,
      %mul3A_63 = arith.constant 16 : i32
      %mul3A_64 = arith.muli %scan3A_51, %mul3A_63 : i32
      %swap3A_65 = arith.index_cast %mul3A_64 : i32 to index
      %swap3A_66 = tpu.vector_load %arg10[%swap3A_65] {strides = array<i32>} : memref<16384xf32, #tpu.memory_space<vmem>>, vector<16xf32>,
      tpu.vector_store %arg10[%swap3A_65], %broadcast_in_dim3A_1 {strides = array<i32>} : memref<16384xf32, #tpu.memory_space<vmem>>, vector<16xf32>,
    }
    %scan3A_14 = arith.constant 1024 : i32
    %mul3A_15 = arith.constant 64 : i32
    %mul3A_16 = arith.muli %mul3A_3, %mul3A_15 : i32
    %dma_wait3A = tpu.memref_slice %arg3[%mul3A_16] : memref<262144xi32, #tpu.memory_space<hbm>> -> memref<8192xi32, #tpu.memory_space<hbm>>
    %dma_wait3A_17 = tpu.memref_slice %arg3[%mul3A_16] : memref<262144xi32, #tpu.memory_space<hbm>> -> memref<8192xi32, #tpu.memory_space<hbm>>
    tpu.wait_dma2 semaphore(%arg11 : memref<!tpu.dma_semaphore, #tpu.memory_space<semaphore_mem>>) src(%dma_wait3A_17 : memref<8192xi32, #tpu.memory_space<hbm>>) dst(%arg5 : memref<8192xi32, #tpu.memory_space<vmem>>)
    %mul3A_18 = arith.constant 64 : i32
    %mul3A_19 = arith.muli %mul3A_3, %mul3A_18 : i32
    %dma_wait3A_20 = tpu.memref_slice %arg2[%mul3A_19] : memref<262144xf32, #tpu.memory_space<hbm>> -> memref<8192xf32, #tpu.memory_space<hbm>>
    %dma_wait3A_21 = tpu.memref_slice %arg2[%mul3A_19] : memref<262144xf32, #tpu.memory_space<hbm>> -> memref<8192xf32, #tpu.memory_space<hbm>>
    tpu.wait_dma2 semaphore(%arg12 : memref<!tpu.dma_semaphore, #tpu.memory_space<semaphore_mem>>) src(%dma_wait3A_21 : memref<8192xf32, #tpu.memory_space<hbm>>) dst(%arg6 : memref<8192xf32, #tpu.memory_space<vmem>>)
    %scan3A_22 = arith.constant 0 : i32
    %scan3A_23 = arith.constant 8 : i32
    %scan3A_24 = arith.addi %scan3A_22, %scan3A_23 : i32
    %scan3A_25 = arith.constant 1 : i32
    scf.for %scan3A_51 = %scan3A_22 to %scan3A_24 step %scan3A_25  : i32 {
      %mul3A_52 = arith.constant 4 : i32
      %mul3A_53 = arith.muli %mul3A_52, %scan3A_51 : i32
      %add3A_54 = arith.constant 0 : i32
      %add3A_55 = arith.addi %mul3A_53, %add3A_54 : i32
      %mul3A_56 = arith.constant 4 : i32
      %mul3A_57 = arith.muli %add3A_55, %mul3A_56 : i32
      %add3A_58 = arith.addi %mul3A_3, %mul3A_57 : i32
      %mul3A_59 = arith.constant 4 : i32
      %mul3A_60 = arith.muli %add3A_55, %mul3A_59 : i32
      %mul3A_61 = arith.constant 64 : i32
      %mul3A_62 = arith.muli %mul3A_60, %mul3A_61 : i32
      %gt3A = arith.constant 0 : i32
      %gt3A_63 = arith.cmpi sgt, %scan3A_51, %gt3A : i32
      %convert_element_type3A = arith.extui %gt3A_63 : i1 to i32
      %cond3A = arith.constant 0 : i32
      %cond3A_64 = arith.cmpi ne, %convert_element_type3A, %cond3A : i32
      scf.if %cond3A_64 {
        %sub3A = arith.constant 16 : i32
        %sub3A_832 = arith.subi %add3A_58, %sub3A : i32
        %mul3A_833 = arith.constant 4096 : i32
        %mul3A_834 = arith.muli %sub3A_832, %mul3A_833 : i32
        %dma_wait3A_835 = tpu.memref_slice %arg4[%mul3A_834] : memref<16777216xf32, #tpu.memory_space<hbm>> -> memref<16384xf32, #tpu.memory_space<hbm>>
        %dma_wait3A_836 = tpu.memref_slice %arg4[%mul3A_834] : memref<16777216xf32, #tpu.memory_space<hbm>> -> memref<16384xf32, #tpu.memory_space<hbm>>
        tpu.wait_dma2 semaphore(%arg11 : memref<!tpu.dma_semaphore, #tpu.memory_space<semaphore_mem>>) src(%arg7 : memref<16384xf32, #tpu.memory_space<vmem>>) dst(%dma_wait3A_836 : memref<16384xf32, #tpu.memory_space<hbm>>)
        %sub3A_837 = arith.constant 1024 : i32
        %sub3A_838 = arith.subi %mul3A_62, %sub3A_837 : i32
        %add3A_839 = arith.constant 0 : i32
        %add3A_840 = arith.addi %sub3A_838, %add3A_839 : i32
        %get3A_841 = arith.index_cast %add3A_840 : i32 to index
        %get3A_842 = tpu.vector_load %arg5[%get3A_841] {strides = array<i32>} : memref<8192xi32, #tpu.memory_space<vmem>>, vector<16xi32>,
        %add3A_843 = arith.constant 0 : i32
        %add3A_844 = vector.broadcast %add3A_843 : i32 to vector<16xi32>
        %add3A_845 = arith.addi %get3A_842, %add3A_844 : vector<16xi32>
        tpu.vector_store_idx %arg7[%add3A_845], %broadcast_in_dim3A_1 : memref<16384xf32, #tpu.memory_space<vmem>>[vector<16xi32>], vector<16xf32>,
        %add3A_846 = arith.constant 16 : i32
        %add3A_847 = arith.addi %sub3A_838, %add3A_846 : i32
        %get3A_848 = arith.index_cast %add3A_847 : i32 to index
        %get3A_849 = tpu.vector_load %arg5[%get3A_848] {strides = array<i32>} : memref<8192xi32, #tpu.memory_space<vmem>>, vector<16xi32>,
        %add3A_850 = arith.constant 0 : i32
        %add3A_851 = vector.broadcast %add3A_850 : i32 to vector<16xi32>
        %add3A_852 = arith.addi %get3A_849, %add3A_851 : vector<16xi32>
        tpu.vector_store_idx %arg7[%add3A_852], %broadcast_in_dim3A_1 : memref<16384xf32, #tpu.memory_space<vmem>>[vector<16xi32>], vector<16xf32>,
        %add3A_853 = arith.constant 32 : i32
        %add3A_854 = arith.addi %sub3A_838, %add3A_853 : i32
        %get3A_855 = arith.index_cast %add3A_854 : i32 to index
        %get3A_856 = tpu.vector_load %arg5[%get3A_855] {strides = array<i32>} : memref<8192xi32, #tpu.memory_space<vmem>>, vector<16xi32>,
        %add3A_857 = arith.constant 0 : i32
        %add3A_858 = vector.broadcast %add3A_857 : i32 to vector<16xi32>
        %add3A_859 = arith.addi %get3A_856, %add3A_858 : vector<16xi32>
        tpu.vector_store_idx %arg7[%add3A_859], %broadcast_in_dim3A_1 : memref<16384xf32, #tpu.memory_space<vmem>>[vector<16xi32>], vector<16xf32>,
        %add3A_860 = arith.constant 48 : i32
        %add3A_861 = arith.addi %sub3A_838, %add3A_860 : i32
        %get3A_862 = arith.index_cast %add3A_861 : i32 to index
        %get3A_863 = tpu.vector_load %arg5[%get3A_862] {strides = array<i32>} : memref<8192xi32, #tpu.memory_space<vmem>>, vector<16xi32>,
        %add3A_864 = arith.constant 0 : i32
        %add3A_865 = vector.broadcast %add3A_864 : i32 to vector<16xi32>
        %add3A_866 = arith.addi %get3A_863, %add3A_865 : vector<16xi32>
        tpu.vector_store_idx %arg7[%add3A_866], %broadcast_in_dim3A_1 : memref<16384xf32, #tpu.memory_space<vmem>>[vector<16xi32>], vector<16xf32>,
        %add3A_867 = arith.constant 64 : i32
        %add3A_868 = arith.addi %sub3A_838, %add3A_867 : i32
        %get3A_869 = arith.index_cast %add3A_868 : i32 to index
        %get3A_870 = tpu.vector_load %arg5[%get3A_869] {strides = array<i32>} : memref<8192xi32, #tpu.memory_space<vmem>>, vector<16xi32>,
        %add3A_871 = arith.constant 4096 : i32
        %add3A_872 = vector.broadcast %add3A_871 : i32 to vector<16xi32>
        %add3A_873 = arith.addi %get3A_870, %add3A_872 : vector<16xi32>
        tpu.vector_store_idx %arg7[%add3A_873], %broadcast_in_dim3A_1 : memref<16384xf32, #tpu.memory_space<vmem>>[vector<16xi32>], vector<16xf32>,
        %add3A_874 = arith.constant 80 : i32
        %add3A_875 = arith.addi %sub3A_838, %add3A_874 : i32
        %get3A_876 = arith.index_cast %add3A_875 : i32 to index
        %get3A_877 = tpu.vector_load %arg5[%get3A_876] {strides = array<i32>} : memref<8192xi32, #tpu.memory_space<vmem>>, vector<16xi32>,
        %add3A_878 = arith.constant 4096 : i32
        %add3A_879 = vector.broadcast %add3A_878 : i32 to vector<16xi32>
        %add3A_880 = arith.addi %get3A_877, %add3A_879 : vector<16xi32>
        tpu.vector_store_idx %arg7[%add3A_880], %broadcast_in_dim3A_1 : memref<16384xf32, #tpu.memory_space<vmem>>[vector<16xi32>], vector<16xf32>,
        %add3A_881 = arith.constant 96 : i32
        %add3A_882 = arith.addi %sub3A_838, %add3A_881 : i32
        %get3A_883 = arith.index_cast %add3A_882 : i32 to index
        %get3A_884 = tpu.vector_load %arg5[%get3A_883] {strides = array<i32>} : memref<8192xi32, #tpu.memory_space<vmem>>, vector<16xi32>,
        %add3A_885 = arith.constant 4096 : i32
        %add3A_886 = vector.broadcast %add3A_885 : i32 to vector<16xi32>
        %add3A_887 = arith.addi %get3A_884, %add3A_886 : vector<16xi32>
        tpu.vector_store_idx %arg7[%add3A_887], %broadcast_in_dim3A_1 : memref<16384xf32, #tpu.memory_space<vmem>>[vector<16xi32>], vector<16xf32>,
        %add3A_888 = arith.constant 112 : i32
        %add3A_889 = arith.addi %sub3A_838, %add3A_888 : i32
        %get3A_890 = arith.index_cast %add3A_889 : i32 to index
        %get3A_891 = tpu.vector_load %arg5[%get3A_890] {strides = array<i32>} : memref<8192xi32, #tpu.memory_space<vmem>>, vector<16xi32>,
        %add3A_892 = arith.constant 4096 : i32
        %add3A_893 = vector.broadcast %add3A_892 : i32 to vector<16xi32>
        %add3A_894 = arith.addi %get3A_891, %add3A_893 : vector<16xi32>
        tpu.vector_store_idx %arg7[%add3A_894], %broadcast_in_dim3A_1 : memref<16384xf32, #tpu.memory_space<vmem>>[vector<16xi32>], vector<16xf32>,
        %add3A_895 = arith.constant 128 : i32
        %add3A_896 = arith.addi %sub3A_838, %add3A_895 : i32
        %get3A_897 = arith.index_cast %add3A_896 : i32 to index
        %get3A_898 = tpu.vector_load %arg5[%get3A_897] {strides = array<i32>} : memref<8192xi32, #tpu.memory_space<vmem>>, vector<16xi32>,
        %add3A_899 = arith.constant 8192 : i32
        %add3A_900 = vector.broadcast %add3A_899 : i32 to vector<16xi32>
        %add3A_901 = arith.addi %get3A_898, %add3A_900 : vector<16xi32>
        tpu.vector_store_idx %arg7[%add3A_901], %broadcast_in_dim3A_1 : memref<16384xf32, #tpu.memory_space<vmem>>[vector<16xi32>], vector<16xf32>,
        %add3A_902 = arith.constant 144 : i32
        %add3A_903 = arith.addi %sub3A_838, %add3A_902 : i32
        %get3A_904 = arith.index_cast %add3A_903 : i32 to index
        %get3A_905 = tpu.vector_load %arg5[%get3A_904] {strides = array<i32>} : memref<8192xi32, #tpu.memory_space<vmem>>, vector<16xi32>,
        %add3A_906 = arith.constant 8192 : i32
        %add3A_907 = vector.broadcast %add3A_906 : i32 to vector<16xi32>
        %add3A_908 = arith.addi %get3A_905, %add3A_907 : vector<16xi32>
        tpu.vector_store_idx %arg7[%add3A_908], %broadcast_in_dim3A_1 : memref<16384xf32, #tpu.memory_space<vmem>>[vector<16xi32>], vector<16xf32>,
        %add3A_909 = arith.constant 160 : i32
        %add3A_910 = arith.addi %sub3A_838, %add3A_909 : i32
        %get3A_911 = arith.index_cast %add3A_910 : i32 to index
        %get3A_912 = tpu.vector_load %arg5[%get3A_911] {strides = array<i32>} : memref<8192xi32, #tpu.memory_space<vmem>>, vector<16xi32>,
        %add3A_913 = arith.constant 8192 : i32
        %add3A_914 = vector.broadcast %add3A_913 : i32 to vector<16xi32>
        %add3A_915 = arith.addi %get3A_912, %add3A_914 : vector<16xi32>
        tpu.vector_store_idx %arg7[%add3A_915], %broadcast_in_dim3A_1 : memref<16384xf32, #tpu.memory_space<vmem>>[vector<16xi32>], vector<16xf32>,
        %add3A_916 = arith.constant 176 : i32
        %add3A_917 = arith.addi %sub3A_838, %add3A_916 : i32
        %get3A_918 = arith.index_cast %add3A_917 : i32 to index
        %get3A_919 = tpu.vector_load %arg5[%get3A_918] {strides = array<i32>} : memref<8192xi32, #tpu.memory_space<vmem>>, vector<16xi32>,
        %add3A_920 = arith.constant 8192 : i32
        %add3A_921 = vector.broadcast %add3A_920 : i32 to vector<16xi32>
        %add3A_922 = arith.addi %get3A_919, %add3A_921 : vector<16xi32>
        tpu.vector_store_idx %arg7[%add3A_922], %broadcast_in_dim3A_1 : memref<16384xf32, #tpu.memory_space<vmem>>[vector<16xi32>], vector<16xf32>,
        %add3A_923 = arith.constant 192 : i32
        %add3A_924 = arith.addi %sub3A_838, %add3A_923 : i32
        %get3A_925 = arith.index_cast %add3A_924 : i32 to index
        %get3A_926 = tpu.vector_load %arg5[%get3A_925] {strides = array<i32>} : memref<8192xi32, #tpu.memory_space<vmem>>, vector<16xi32>,
        %add3A_927 = arith.constant 12288 : i32
        %add3A_928 = vector.broadcast %add3A_927 : i32 to vector<16xi32>
        %add3A_929 = arith.addi %get3A_926, %add3A_928 : vector<16xi32>
        tpu.vector_store_idx %arg7[%add3A_929], %broadcast_in_dim3A_1 : memref<16384xf32, #tpu.memory_space<vmem>>[vector<16xi32>], vector<16xf32>,
        %add3A_930 = arith.constant 208 : i32
        %add3A_931 = arith.addi %sub3A_838, %add3A_930 : i32
        %get3A_932 = arith.index_cast %add3A_931 : i32 to index
        %get3A_933 = tpu.vector_load %arg5[%get3A_932] {strides = array<i32>} : memref<8192xi32, #tpu.memory_space<vmem>>, vector<16xi32>,
        %add3A_934 = arith.constant 12288 : i32
        %add3A_935 = vector.broadcast %add3A_934 : i32 to vector<16xi32>
        %add3A_936 = arith.addi %get3A_933, %add3A_935 : vector<16xi32>
        tpu.vector_store_idx %arg7[%add3A_936], %broadcast_in_dim3A_1 : memref<16384xf32, #tpu.memory_space<vmem>>[vector<16xi32>], vector<16xf32>,
        %add3A_937 = arith.constant 224 : i32
        %add3A_938 = arith.addi %sub3A_838, %add3A_937 : i32
        %get3A_939 = arith.index_cast %add3A_938 : i32 to index
        %get3A_940 = tpu.vector_load %arg5[%get3A_939] {strides = array<i32>} : memref<8192xi32, #tpu.memory_space<vmem>>, vector<16xi32>,
        %add3A_941 = arith.constant 12288 : i32
        %add3A_942 = vector.broadcast %add3A_941 : i32 to vector<16xi32>
        %add3A_943 = arith.addi %get3A_940, %add3A_942 : vector<16xi32>
        tpu.vector_store_idx %arg7[%add3A_943], %broadcast_in_dim3A_1 : memref<16384xf32, #tpu.memory_space<vmem>>[vector<16xi32>], vector<16xf32>,
        %add3A_944 = arith.constant 240 : i32
        %add3A_945 = arith.addi %sub3A_838, %add3A_944 : i32
        %get3A_946 = arith.index_cast %add3A_945 : i32 to index
        %get3A_947 = tpu.vector_load %arg5[%get3A_946] {strides = array<i32>} : memref<8192xi32, #tpu.memory_space<vmem>>, vector<16xi32>,
        %add3A_948 = arith.constant 12288 : i32
        %add3A_949 = vector.broadcast %add3A_948 : i32 to vector<16xi32>
        %add3A_950 = arith.addi %get3A_947, %add3A_949 : vector<16xi32>
        tpu.vector_store_idx %arg7[%add3A_950], %broadcast_in_dim3A_1 : memref<16384xf32, #tpu.memory_space<vmem>>[vector<16xi32>], vector<16xf32>,
      } else {
      }
      %add3A_65 = arith.constant 0 : i32
      %add3A_66 = arith.addi %mul3A_62, %add3A_65 : i32
      %get3A = arith.index_cast %add3A_66 : i32 to index
      %get3A_67 = tpu.vector_load %arg5[%get3A] {strides = array<i32>} : memref<8192xi32, #tpu.memory_space<vmem>>, vector<16xi32>,
      %add3A_68 = arith.constant 0 : i32
      %add3A_69 = vector.broadcast %add3A_68 : i32 to vector<16xi32>
      %add3A_70 = arith.addi %get3A_67, %add3A_69 : vector<16xi32>
      %add3A_71 = arith.constant 0 : i32
      %add3A_72 = arith.addi %mul3A_62, %add3A_71 : i32
      %get3A_73 = arith.index_cast %add3A_72 : i32 to index
      %get3A_74 = tpu.vector_load %arg6[%get3A_73] {strides = array<i32>} : memref<8192xf32, #tpu.memory_space<vmem>>, vector<16xf32>,
      tpu.vector_store_idx %arg7[%add3A_70], %get3A_74 : memref<16384xf32, #tpu.memory_space<vmem>>[vector<16xi32>], vector<16xf32>,
      %add3A_75 = arith.constant 16 : i32
      %add3A_76 = arith.addi %mul3A_62, %add3A_75 : i32
      %get3A_77 = arith.index_cast %add3A_76 : i32 to index
      %get3A_78 = tpu.vector_load %arg5[%get3A_77] {strides = array<i32>} : memref<8192xi32, #tpu.memory_space<vmem>>, vector<16xi32>,
      %add3A_79 = arith.constant 0 : i32
      %add3A_80 = vector.broadcast %add3A_79 : i32 to vector<16xi32>
      %add3A_81 = arith.addi %get3A_78, %add3A_80 : vector<16xi32>
      %add3A_82 = arith.constant 16 : i32
      %add3A_83 = arith.addi %mul3A_62, %add3A_82 : i32
      %get3A_84 = arith.index_cast %add3A_83 : i32 to index
      %get3A_85 = tpu.vector_load %arg6[%get3A_84] {strides = array<i32>} : memref<8192xf32, #tpu.memory_space<vmem>>, vector<16xf32>,
      tpu.vector_store_idx %arg7[%add3A_81], %get3A_85 : memref<16384xf32, #tpu.memory_space<vmem>>[vector<16xi32>], vector<16xf32>,
      %add3A_86 = arith.constant 32 : i32
      %add3A_87 = arith.addi %mul3A_62, %add3A_86 : i32
      %get3A_88 = arith.index_cast %add3A_87 : i32 to index
      %get3A_89 = tpu.vector_load %arg5[%get3A_88] {strides = array<i32>} : memref<8192xi32, #tpu.memory_space<vmem>>, vector<16xi32>,
      %add3A_90 = arith.constant 0 : i32
      %add3A_91 = vector.broadcast %add3A_90 : i32 to vector<16xi32>
      %add3A_92 = arith.addi %get3A_89, %add3A_91 : vector<16xi32>
      %add3A_93 = arith.constant 32 : i32
      %add3A_94 = arith.addi %mul3A_62, %add3A_93 : i32
      %get3A_95 = arith.index_cast %add3A_94 : i32 to index
      %get3A_96 = tpu.vector_load %arg6[%get3A_95] {strides = array<i32>} : memref<8192xf32, #tpu.memory_space<vmem>>, vector<16xf32>,
      tpu.vector_store_idx %arg7[%add3A_92], %get3A_96 : memref<16384xf32, #tpu.memory_space<vmem>>[vector<16xi32>], vector<16xf32>,
      %add3A_97 = arith.constant 48 : i32
      %add3A_98 = arith.addi %mul3A_62, %add3A_97 : i32
      %get3A_99 = arith.index_cast %add3A_98 : i32 to index
      %get3A_100 = tpu.vector_load %arg5[%get3A_99] {strides = array<i32>} : memref<8192xi32, #tpu.memory_space<vmem>>, vector<16xi32>,
      %add3A_101 = arith.constant 0 : i32
      %add3A_102 = vector.broadcast %add3A_101 : i32 to vector<16xi32>
      %add3A_103 = arith.addi %get3A_100, %add3A_102 : vector<16xi32>
      %add3A_104 = arith.constant 48 : i32
      %add3A_105 = arith.addi %mul3A_62, %add3A_104 : i32
      %get3A_106 = arith.index_cast %add3A_105 : i32 to index
      %get3A_107 = tpu.vector_load %arg6[%get3A_106] {strides = array<i32>} : memref<8192xf32, #tpu.memory_space<vmem>>, vector<16xf32>,
      tpu.vector_store_idx %arg7[%add3A_103], %get3A_107 : memref<16384xf32, #tpu.memory_space<vmem>>[vector<16xi32>], vector<16xf32>,
      %add3A_108 = arith.constant 64 : i32
      %add3A_109 = arith.addi %mul3A_62, %add3A_108 : i32
      %get3A_110 = arith.index_cast %add3A_109 : i32 to index
      %get3A_111 = tpu.vector_load %arg5[%get3A_110] {strides = array<i32>} : memref<8192xi32, #tpu.memory_space<vmem>>, vector<16xi32>,
      %add3A_112 = arith.constant 4096 : i32
      %add3A_113 = vector.broadcast %add3A_112 : i32 to vector<16xi32>
      %add3A_114 = arith.addi %get3A_111, %add3A_113 : vector<16xi32>
      %add3A_115 = arith.constant 64 : i32
      %add3A_116 = arith.addi %mul3A_62, %add3A_115 : i32
      %get3A_117 = arith.index_cast %add3A_116 : i32 to index
      %get3A_118 = tpu.vector_load %arg6[%get3A_117] {strides = array<i32>} : memref<8192xf32, #tpu.memory_space<vmem>>, vector<16xf32>,
      tpu.vector_store_idx %arg7[%add3A_114], %get3A_118 : memref<16384xf32, #tpu.memory_space<vmem>>[vector<16xi32>], vector<16xf32>,
      %add3A_119 = arith.constant 80 : i32
      %add3A_120 = arith.addi %mul3A_62, %add3A_119 : i32
      %get3A_121 = arith.index_cast %add3A_120 : i32 to index
      %get3A_122 = tpu.vector_load %arg5[%get3A_121] {strides = array<i32>} : memref<8192xi32, #tpu.memory_space<vmem>>, vector<16xi32>,
      %add3A_123 = arith.constant 4096 : i32
      %add3A_124 = vector.broadcast %add3A_123 : i32 to vector<16xi32>
      %add3A_125 = arith.addi %get3A_122, %add3A_124 : vector<16xi32>
      %add3A_126 = arith.constant 80 : i32
      %add3A_127 = arith.addi %mul3A_62, %add3A_126 : i32
      %get3A_128 = arith.index_cast %add3A_127 : i32 to index
      %get3A_129 = tpu.vector_load %arg6[%get3A_128] {strides = array<i32>} : memref<8192xf32, #tpu.memory_space<vmem>>, vector<16xf32>,
      tpu.vector_store_idx %arg7[%add3A_125], %get3A_129 : memref<16384xf32, #tpu.memory_space<vmem>>[vector<16xi32>], vector<16xf32>,
      %add3A_130 = arith.constant 96 : i32
      %add3A_131 = arith.addi %mul3A_62, %add3A_130 : i32
      %get3A_132 = arith.index_cast %add3A_131 : i32 to index
      %get3A_133 = tpu.vector_load %arg5[%get3A_132] {strides = array<i32>} : memref<8192xi32, #tpu.memory_space<vmem>>, vector<16xi32>,
      %add3A_134 = arith.constant 4096 : i32
      %add3A_135 = vector.broadcast %add3A_134 : i32 to vector<16xi32>
      %add3A_136 = arith.addi %get3A_133, %add3A_135 : vector<16xi32>
      %add3A_137 = arith.constant 96 : i32
      %add3A_138 = arith.addi %mul3A_62, %add3A_137 : i32
      %get3A_139 = arith.index_cast %add3A_138 : i32 to index
      %get3A_140 = tpu.vector_load %arg6[%get3A_139] {strides = array<i32>} : memref<8192xf32, #tpu.memory_space<vmem>>, vector<16xf32>,
      tpu.vector_store_idx %arg7[%add3A_136], %get3A_140 : memref<16384xf32, #tpu.memory_space<vmem>>[vector<16xi32>], vector<16xf32>,
      %add3A_141 = arith.constant 112 : i32
      %add3A_142 = arith.addi %mul3A_62, %add3A_141 : i32
      %get3A_143 = arith.index_cast %add3A_142 : i32 to index
      %get3A_144 = tpu.vector_load %arg5[%get3A_143] {strides = array<i32>} : memref<8192xi32, #tpu.memory_space<vmem>>, vector<16xi32>,
      %add3A_145 = arith.constant 4096 : i32
      %add3A_146 = vector.broadcast %add3A_145 : i32 to vector<16xi32>
      %add3A_147 = arith.addi %get3A_144, %add3A_146 : vector<16xi32>
      %add3A_148 = arith.constant 112 : i32
      %add3A_149 = arith.addi %mul3A_62, %add3A_148 : i32
      %get3A_150 = arith.index_cast %add3A_149 : i32 to index
      %get3A_151 = tpu.vector_load %arg6[%get3A_150] {strides = array<i32>} : memref<8192xf32, #tpu.memory_space<vmem>>, vector<16xf32>,
      tpu.vector_store_idx %arg7[%add3A_147], %get3A_151 : memref<16384xf32, #tpu.memory_space<vmem>>[vector<16xi32>], vector<16xf32>,
      %add3A_152 = arith.constant 128 : i32
      %add3A_153 = arith.addi %mul3A_62, %add3A_152 : i32
      %get3A_154 = arith.index_cast %add3A_153 : i32 to index
      %get3A_155 = tpu.vector_load %arg5[%get3A_154] {strides = array<i32>} : memref<8192xi32, #tpu.memory_space<vmem>>, vector<16xi32>,
      %add3A_156 = arith.constant 8192 : i32
      %add3A_157 = vector.broadcast %add3A_156 : i32 to vector<16xi32>
      %add3A_158 = arith.addi %get3A_155, %add3A_157 : vector<16xi32>
      %add3A_159 = arith.constant 128 : i32
      %add3A_160 = arith.addi %mul3A_62, %add3A_159 : i32
      %get3A_161 = arith.index_cast %add3A_160 : i32 to index
      %get3A_162 = tpu.vector_load %arg6[%get3A_161] {strides = array<i32>} : memref<8192xf32, #tpu.memory_space<vmem>>, vector<16xf32>,
      tpu.vector_store_idx %arg7[%add3A_158], %get3A_162 : memref<16384xf32, #tpu.memory_space<vmem>>[vector<16xi32>], vector<16xf32>,
      %add3A_163 = arith.constant 144 : i32
      %add3A_164 = arith.addi %mul3A_62, %add3A_163 : i32
      %get3A_165 = arith.index_cast %add3A_164 : i32 to index
      %get3A_166 = tpu.vector_load %arg5[%get3A_165] {strides = array<i32>} : memref<8192xi32, #tpu.memory_space<vmem>>, vector<16xi32>,
      %add3A_167 = arith.constant 8192 : i32
      %add3A_168 = vector.broadcast %add3A_167 : i32 to vector<16xi32>
      %add3A_169 = arith.addi %get3A_166, %add3A_168 : vector<16xi32>
      %add3A_170 = arith.constant 144 : i32
      %add3A_171 = arith.addi %mul3A_62, %add3A_170 : i32
      %get3A_172 = arith.index_cast %add3A_171 : i32 to index
      %get3A_173 = tpu.vector_load %arg6[%get3A_172] {strides = array<i32>} : memref<8192xf32, #tpu.memory_space<vmem>>, vector<16xf32>,
      tpu.vector_store_idx %arg7[%add3A_169], %get3A_173 : memref<16384xf32, #tpu.memory_space<vmem>>[vector<16xi32>], vector<16xf32>,
      %add3A_174 = arith.constant 160 : i32
      %add3A_175 = arith.addi %mul3A_62, %add3A_174 : i32
      %get3A_176 = arith.index_cast %add3A_175 : i32 to index
      %get3A_177 = tpu.vector_load %arg5[%get3A_176] {strides = array<i32>} : memref<8192xi32, #tpu.memory_space<vmem>>, vector<16xi32>,
      %add3A_178 = arith.constant 8192 : i32
      %add3A_179 = vector.broadcast %add3A_178 : i32 to vector<16xi32>
      %add3A_180 = arith.addi %get3A_177, %add3A_179 : vector<16xi32>
      %add3A_181 = arith.constant 160 : i32
      %add3A_182 = arith.addi %mul3A_62, %add3A_181 : i32
      %get3A_183 = arith.index_cast %add3A_182 : i32 to index
      %get3A_184 = tpu.vector_load %arg6[%get3A_183] {strides = array<i32>} : memref<8192xf32, #tpu.memory_space<vmem>>, vector<16xf32>,
      tpu.vector_store_idx %arg7[%add3A_180], %get3A_184 : memref<16384xf32, #tpu.memory_space<vmem>>[vector<16xi32>], vector<16xf32>,
      %add3A_185 = arith.constant 176 : i32
      %add3A_186 = arith.addi %mul3A_62, %add3A_185 : i32
      %get3A_187 = arith.index_cast %add3A_186 : i32 to index
      %get3A_188 = tpu.vector_load %arg5[%get3A_187] {strides = array<i32>} : memref<8192xi32, #tpu.memory_space<vmem>>, vector<16xi32>,
      %add3A_189 = arith.constant 8192 : i32
      %add3A_190 = vector.broadcast %add3A_189 : i32 to vector<16xi32>
      %add3A_191 = arith.addi %get3A_188, %add3A_190 : vector<16xi32>
      %add3A_192 = arith.constant 176 : i32
      %add3A_193 = arith.addi %mul3A_62, %add3A_192 : i32
      %get3A_194 = arith.index_cast %add3A_193 : i32 to index
      %get3A_195 = tpu.vector_load %arg6[%get3A_194] {strides = array<i32>} : memref<8192xf32, #tpu.memory_space<vmem>>, vector<16xf32>,
      tpu.vector_store_idx %arg7[%add3A_191], %get3A_195 : memref<16384xf32, #tpu.memory_space<vmem>>[vector<16xi32>], vector<16xf32>,
      %add3A_196 = arith.constant 192 : i32
      %add3A_197 = arith.addi %mul3A_62, %add3A_196 : i32
      %get3A_198 = arith.index_cast %add3A_197 : i32 to index
      %get3A_199 = tpu.vector_load %arg5[%get3A_198] {strides = array<i32>} : memref<8192xi32, #tpu.memory_space<vmem>>, vector<16xi32>,
      %add3A_200 = arith.constant 12288 : i32
      %add3A_201 = vector.broadcast %add3A_200 : i32 to vector<16xi32>
      %add3A_202 = arith.addi %get3A_199, %add3A_201 : vector<16xi32>
      %add3A_203 = arith.constant 192 : i32
      %add3A_204 = arith.addi %mul3A_62, %add3A_203 : i32
      %get3A_205 = arith.index_cast %add3A_204 : i32 to index
      %get3A_206 = tpu.vector_load %arg6[%get3A_205] {strides = array<i32>} : memref<8192xf32, #tpu.memory_space<vmem>>, vector<16xf32>,
      tpu.vector_store_idx %arg7[%add3A_202], %get3A_206 : memref<16384xf32, #tpu.memory_space<vmem>>[vector<16xi32>], vector<16xf32>,
      %add3A_207 = arith.constant 208 : i32
      %add3A_208 = arith.addi %mul3A_62, %add3A_207 : i32
      %get3A_209 = arith.index_cast %add3A_208 : i32 to index
      %get3A_210 = tpu.vector_load %arg5[%get3A_209] {strides = array<i32>} : memref<8192xi32, #tpu.memory_space<vmem>>, vector<16xi32>,
      %add3A_211 = arith.constant 12288 : i32
      %add3A_212 = vector.broadcast %add3A_211 : i32 to vector<16xi32>
      %add3A_213 = arith.addi %get3A_210, %add3A_212 : vector<16xi32>
      %add3A_214 = arith.constant 208 : i32
      %add3A_215 = arith.addi %mul3A_62, %add3A_214 : i32
      %get3A_216 = arith.index_cast %add3A_215 : i32 to index
      %get3A_217 = tpu.vector_load %arg6[%get3A_216] {strides = array<i32>} : memref<8192xf32, #tpu.memory_space<vmem>>, vector<16xf32>,
      tpu.vector_store_idx %arg7[%add3A_213], %get3A_217 : memref<16384xf32, #tpu.memory_space<vmem>>[vector<16xi32>], vector<16xf32>,
      %add3A_218 = arith.constant 224 : i32
      %add3A_219 = arith.addi %mul3A_62, %add3A_218 : i32
      %get3A_220 = arith.index_cast %add3A_219 : i32 to index
      %get3A_221 = tpu.vector_load %arg5[%get3A_220] {strides = array<i32>} : memref<8192xi32, #tpu.memory_space<vmem>>, vector<16xi32>,
      %add3A_222 = arith.constant 12288 : i32
      %add3A_223 = vector.broadcast %add3A_222 : i32 to vector<16xi32>
      %add3A_224 = arith.addi %get3A_221, %add3A_223 : vector<16xi32>
      %add3A_225 = arith.constant 224 : i32
      %add3A_226 = arith.addi %mul3A_62, %add3A_225 : i32
      %get3A_227 = arith.index_cast %add3A_226 : i32 to index
      %get3A_228 = tpu.vector_load %arg6[%get3A_227] {strides = array<i32>} : memref<8192xf32, #tpu.memory_space<vmem>>, vector<16xf32>,
      tpu.vector_store_idx %arg7[%add3A_224], %get3A_228 : memref<16384xf32, #tpu.memory_space<vmem>>[vector<16xi32>], vector<16xf32>,
      %add3A_229 = arith.constant 240 : i32
      %add3A_230 = arith.addi %mul3A_62, %add3A_229 : i32
      %get3A_231 = arith.index_cast %add3A_230 : i32 to index
      %get3A_232 = tpu.vector_load %arg5[%get3A_231] {strides = array<i32>} : memref<8192xi32, #tpu.memory_space<vmem>>, vector<16xi32>,
      %add3A_233 = arith.constant 12288 : i32
      %add3A_234 = vector.broadcast %add3A_233 : i32 to vector<16xi32>
      %add3A_235 = arith.addi %get3A_232, %add3A_234 : vector<16xi32>
      %add3A_236 = arith.constant 240 : i32
      %add3A_237 = arith.addi %mul3A_62, %add3A_236 : i32
      %get3A_238 = arith.index_cast %add3A_237 : i32 to index
      %get3A_239 = tpu.vector_load %arg6[%get3A_238] {strides = array<i32>} : memref<8192xf32, #tpu.memory_space<vmem>>, vector<16xf32>,
      tpu.vector_store_idx %arg7[%add3A_235], %get3A_239 : memref<16384xf32, #tpu.memory_space<vmem>>[vector<16xi32>], vector<16xf32>,
      %mul3A_240 = arith.constant 4096 : i32
      %mul3A_241 = arith.muli %add3A_58, %mul3A_240 : i32
      %dma_start3A_242 = tpu.memref_slice %arg4[%mul3A_241] : memref<16777216xf32, #tpu.memory_space<hbm>> -> memref<16384xf32, #tpu.memory_space<hbm>>
      %dma_start3A_243 = tpu.memref_slice %arg4[%mul3A_241] : memref<16777216xf32, #tpu.memory_space<hbm>> -> memref<16384xf32, #tpu.memory_space<hbm>>
      tpu.enqueue_dma source(%arg7 : memref<16384xf32, #tpu.memory_space<vmem>>) target(%dma_start3A_243 : memref<16384xf32, #tpu.memory_space<hbm>>) target_semaphore(%arg11 : memref<!tpu.dma_semaphore, #tpu.memory_space<semaphore_mem>>)
      %mul3A_244 = arith.constant 4 : i32
      %mul3A_245 = arith.muli %mul3A_244, %scan3A_51 : i32
      %add3A_246 = arith.constant 1 : i32
      %add3A_247 = arith.addi %mul3A_245, %add3A_246 : i32
      %mul3A_248 = arith.constant 4 : i32
      %mul3A_249 = arith.muli %add3A_247, %mul3A_248 : i32
      %add3A_250 = arith.addi %mul3A_3, %mul3A_249 : i32
      %mul3A_251 = arith.constant 4 : i32
      %mul3A_252 = arith.muli %add3A_247, %mul3A_251 : i32
      %mul3A_253 = arith.constant 64 : i32
      %mul3A_254 = arith.muli %mul3A_252, %mul3A_253 : i32
      %gt3A_255 = arith.constant 0 : i32
      %gt3A_256 = arith.cmpi sgt, %scan3A_51, %gt3A_255 : i32
      %convert_element_type3A_257 = arith.extui %gt3A_256 : i1 to i32
      %cond3A_258 = arith.constant 0 : i32
      %cond3A_259 = arith.cmpi ne, %convert_element_type3A_257, %cond3A_258 : i32
      scf.if %cond3A_259 {
        %sub3A = arith.constant 16 : i32
        %sub3A_832 = arith.subi %add3A_250, %sub3A : i32
        %mul3A_833 = arith.constant 4096 : i32
        %mul3A_834 = arith.muli %sub3A_832, %mul3A_833 : i32
        %dma_wait3A_835 = tpu.memref_slice %arg4[%mul3A_834] : memref<16777216xf32, #tpu.memory_space<hbm>> -> memref<16384xf32, #tpu.memory_space<hbm>>
        %dma_wait3A_836 = tpu.memref_slice %arg4[%mul3A_834] : memref<16777216xf32, #tpu.memory_space<hbm>> -> memref<16384xf32, #tpu.memory_space<hbm>>
        tpu.wait_dma2 semaphore(%arg12 : memref<!tpu.dma_semaphore, #tpu.memory_space<semaphore_mem>>) src(%arg8 : memref<16384xf32, #tpu.memory_space<vmem>>) dst(%dma_wait3A_836 : memref<16384xf32, #tpu.memory_space<hbm>>)
        %sub3A_837 = arith.constant 1024 : i32
        %sub3A_838 = arith.subi %mul3A_254, %sub3A_837 : i32
        %add3A_839 = arith.constant 0 : i32
        %add3A_840 = arith.addi %sub3A_838, %add3A_839 : i32
        %get3A_841 = arith.index_cast %add3A_840 : i32 to index
        %get3A_842 = tpu.vector_load %arg5[%get3A_841] {strides = array<i32>} : memref<8192xi32, #tpu.memory_space<vmem>>, vector<16xi32>,
        %add3A_843 = arith.constant 0 : i32
        %add3A_844 = vector.broadcast %add3A_843 : i32 to vector<16xi32>
        %add3A_845 = arith.addi %get3A_842, %add3A_844 : vector<16xi32>
        tpu.vector_store_idx %arg8[%add3A_845], %broadcast_in_dim3A_1 : memref<16384xf32, #tpu.memory_space<vmem>>[vector<16xi32>], vector<16xf32>,
        %add3A_846 = arith.constant 16 : i32
        %add3A_847 = arith.addi %sub3A_838, %add3A_846 : i32
        %get3A_848 = arith.index_cast %add3A_847 : i32 to index
        %get3A_849 = tpu.vector_load %arg5[%get3A_848] {strides = array<i32>} : memref<8192xi32, #tpu.memory_space<vmem>>, vector<16xi32>,
        %add3A_850 = arith.constant 0 : i32
        %add3A_851 = vector.broadcast %add3A_850 : i32 to vector<16xi32>
        %add3A_852 = arith.addi %get3A_849, %add3A_851 : vector<16xi32>
        tpu.vector_store_idx %arg8[%add3A_852], %broadcast_in_dim3A_1 : memref<16384xf32, #tpu.memory_space<vmem>>[vector<16xi32>], vector<16xf32>,
        %add3A_853 = arith.constant 32 : i32
        %add3A_854 = arith.addi %sub3A_838, %add3A_853 : i32
        %get3A_855 = arith.index_cast %add3A_854 : i32 to index
        %get3A_856 = tpu.vector_load %arg5[%get3A_855] {strides = array<i32>} : memref<8192xi32, #tpu.memory_space<vmem>>, vector<16xi32>,
        %add3A_857 = arith.constant 0 : i32
        %add3A_858 = vector.broadcast %add3A_857 : i32 to vector<16xi32>
        %add3A_859 = arith.addi %get3A_856, %add3A_858 : vector<16xi32>
        tpu.vector_store_idx %arg8[%add3A_859], %broadcast_in_dim3A_1 : memref<16384xf32, #tpu.memory_space<vmem>>[vector<16xi32>], vector<16xf32>,
        %add3A_860 = arith.constant 48 : i32
        %add3A_861 = arith.addi %sub3A_838, %add3A_860 : i32
        %get3A_862 = arith.index_cast %add3A_861 : i32 to index
        %get3A_863 = tpu.vector_load %arg5[%get3A_862] {strides = array<i32>} : memref<8192xi32, #tpu.memory_space<vmem>>, vector<16xi32>,
        %add3A_864 = arith.constant 0 : i32
        %add3A_865 = vector.broadcast %add3A_864 : i32 to vector<16xi32>
        %add3A_866 = arith.addi %get3A_863, %add3A_865 : vector<16xi32>
        tpu.vector_store_idx %arg8[%add3A_866], %broadcast_in_dim3A_1 : memref<16384xf32, #tpu.memory_space<vmem>>[vector<16xi32>], vector<16xf32>,
        %add3A_867 = arith.constant 64 : i32
        %add3A_868 = arith.addi %sub3A_838, %add3A_867 : i32
        %get3A_869 = arith.index_cast %add3A_868 : i32 to index
        %get3A_870 = tpu.vector_load %arg5[%get3A_869] {strides = array<i32>} : memref<8192xi32, #tpu.memory_space<vmem>>, vector<16xi32>,
        %add3A_871 = arith.constant 4096 : i32
        %add3A_872 = vector.broadcast %add3A_871 : i32 to vector<16xi32>
        %add3A_873 = arith.addi %get3A_870, %add3A_872 : vector<16xi32>
        tpu.vector_store_idx %arg8[%add3A_873], %broadcast_in_dim3A_1 : memref<16384xf32, #tpu.memory_space<vmem>>[vector<16xi32>], vector<16xf32>,
        %add3A_874 = arith.constant 80 : i32
        %add3A_875 = arith.addi %sub3A_838, %add3A_874 : i32
        %get3A_876 = arith.index_cast %add3A_875 : i32 to index
        %get3A_877 = tpu.vector_load %arg5[%get3A_876] {strides = array<i32>} : memref<8192xi32, #tpu.memory_space<vmem>>, vector<16xi32>,
        %add3A_878 = arith.constant 4096 : i32
        %add3A_879 = vector.broadcast %add3A_878 : i32 to vector<16xi32>
        %add3A_880 = arith.addi %get3A_877, %add3A_879 : vector<16xi32>
        tpu.vector_store_idx %arg8[%add3A_880], %broadcast_in_dim3A_1 : memref<16384xf32, #tpu.memory_space<vmem>>[vector<16xi32>], vector<16xf32>,
        %add3A_881 = arith.constant 96 : i32
        %add3A_882 = arith.addi %sub3A_838, %add3A_881 : i32
        %get3A_883 = arith.index_cast %add3A_882 : i32 to index
        %get3A_884 = tpu.vector_load %arg5[%get3A_883] {strides = array<i32>} : memref<8192xi32, #tpu.memory_space<vmem>>, vector<16xi32>,
        %add3A_885 = arith.constant 4096 : i32
        %add3A_886 = vector.broadcast %add3A_885 : i32 to vector<16xi32>
        %add3A_887 = arith.addi %get3A_884, %add3A_886 : vector<16xi32>
        tpu.vector_store_idx %arg8[%add3A_887], %broadcast_in_dim3A_1 : memref<16384xf32, #tpu.memory_space<vmem>>[vector<16xi32>], vector<16xf32>,
        %add3A_888 = arith.constant 112 : i32
        %add3A_889 = arith.addi %sub3A_838, %add3A_888 : i32
        %get3A_890 = arith.index_cast %add3A_889 : i32 to index
        %get3A_891 = tpu.vector_load %arg5[%get3A_890] {strides = array<i32>} : memref<8192xi32, #tpu.memory_space<vmem>>, vector<16xi32>,
        %add3A_892 = arith.constant 4096 : i32
        %add3A_893 = vector.broadcast %add3A_892 : i32 to vector<16xi32>
        %add3A_894 = arith.addi %get3A_891, %add3A_893 : vector<16xi32>
        tpu.vector_store_idx %arg8[%add3A_894], %broadcast_in_dim3A_1 : memref<16384xf32, #tpu.memory_space<vmem>>[vector<16xi32>], vector<16xf32>,
        %add3A_895 = arith.constant 128 : i32
        %add3A_896 = arith.addi %sub3A_838, %add3A_895 : i32
        %get3A_897 = arith.index_cast %add3A_896 : i32 to index
        %get3A_898 = tpu.vector_load %arg5[%get3A_897] {strides = array<i32>} : memref<8192xi32, #tpu.memory_space<vmem>>, vector<16xi32>,
        %add3A_899 = arith.constant 8192 : i32
        %add3A_900 = vector.broadcast %add3A_899 : i32 to vector<16xi32>
        %add3A_901 = arith.addi %get3A_898, %add3A_900 : vector<16xi32>
        tpu.vector_store_idx %arg8[%add3A_901], %broadcast_in_dim3A_1 : memref<16384xf32, #tpu.memory_space<vmem>>[vector<16xi32>], vector<16xf32>,
        %add3A_902 = arith.constant 144 : i32
        %add3A_903 = arith.addi %sub3A_838, %add3A_902 : i32
        %get3A_904 = arith.index_cast %add3A_903 : i32 to index
        %get3A_905 = tpu.vector_load %arg5[%get3A_904] {strides = array<i32>} : memref<8192xi32, #tpu.memory_space<vmem>>, vector<16xi32>,
        %add3A_906 = arith.constant 8192 : i32
        %add3A_907 = vector.broadcast %add3A_906 : i32 to vector<16xi32>
        %add3A_908 = arith.addi %get3A_905, %add3A_907 : vector<16xi32>
        tpu.vector_store_idx %arg8[%add3A_908], %broadcast_in_dim3A_1 : memref<16384xf32, #tpu.memory_space<vmem>>[vector<16xi32>], vector<16xf32>,
        %add3A_909 = arith.constant 160 : i32
        %add3A_910 = arith.addi %sub3A_838, %add3A_909 : i32
        %get3A_911 = arith.index_cast %add3A_910 : i32 to index
        %get3A_912 = tpu.vector_load %arg5[%get3A_911] {strides = array<i32>} : memref<8192xi32, #tpu.memory_space<vmem>>, vector<16xi32>,
        %add3A_913 = arith.constant 8192 : i32
        %add3A_914 = vector.broadcast %add3A_913 : i32 to vector<16xi32>
        %add3A_915 = arith.addi %get3A_912, %add3A_914 : vector<16xi32>
        tpu.vector_store_idx %arg8[%add3A_915], %broadcast_in_dim3A_1 : memref<16384xf32, #tpu.memory_space<vmem>>[vector<16xi32>], vector<16xf32>,
        %add3A_916 = arith.constant 176 : i32
        %add3A_917 = arith.addi %sub3A_838, %add3A_916 : i32
        %get3A_918 = arith.index_cast %add3A_917 : i32 to index
        %get3A_919 = tpu.vector_load %arg5[%get3A_918] {strides = array<i32>} : memref<8192xi32, #tpu.memory_space<vmem>>, vector<16xi32>,
        %add3A_920 = arith.constant 8192 : i32
        %add3A_921 = vector.broadcast %add3A_920 : i32 to vector<16xi32>
        %add3A_922 = arith.addi %get3A_919, %add3A_921 : vector<16xi32>
        tpu.vector_store_idx %arg8[%add3A_922], %broadcast_in_dim3A_1 : memref<16384xf32, #tpu.memory_space<vmem>>[vector<16xi32>], vector<16xf32>,
        %add3A_923 = arith.constant 192 : i32
        %add3A_924 = arith.addi %sub3A_838, %add3A_923 : i32
        %get3A_925 = arith.index_cast %add3A_924 : i32 to index
        %get3A_926 = tpu.vector_load %arg5[%get3A_925] {strides = array<i32>} : memref<8192xi32, #tpu.memory_space<vmem>>, vector<16xi32>,
        %add3A_927 = arith.constant 12288 : i32
        %add3A_928 = vector.broadcast %add3A_927 : i32 to vector<16xi32>
        %add3A_929 = arith.addi %get3A_926, %add3A_928 : vector<16xi32>
        tpu.vector_store_idx %arg8[%add3A_929], %broadcast_in_dim3A_1 : memref<16384xf32, #tpu.memory_space<vmem>>[vector<16xi32>], vector<16xf32>,
        %add3A_930 = arith.constant 208 : i32
        %add3A_931 = arith.addi %sub3A_838, %add3A_930 : i32
        %get3A_932 = arith.index_cast %add3A_931 : i32 to index
        %get3A_933 = tpu.vector_load %arg5[%get3A_932] {strides = array<i32>} : memref<8192xi32, #tpu.memory_space<vmem>>, vector<16xi32>,
        %add3A_934 = arith.constant 12288 : i32
        %add3A_935 = vector.broadcast %add3A_934 : i32 to vector<16xi32>
        %add3A_936 = arith.addi %get3A_933, %add3A_935 : vector<16xi32>
        tpu.vector_store_idx %arg8[%add3A_936], %broadcast_in_dim3A_1 : memref<16384xf32, #tpu.memory_space<vmem>>[vector<16xi32>], vector<16xf32>,
        %add3A_937 = arith.constant 224 : i32
        %add3A_938 = arith.addi %sub3A_838, %add3A_937 : i32
        %get3A_939 = arith.index_cast %add3A_938 : i32 to index
        %get3A_940 = tpu.vector_load %arg5[%get3A_939] {strides = array<i32>} : memref<8192xi32, #tpu.memory_space<vmem>>, vector<16xi32>,
        %add3A_941 = arith.constant 12288 : i32
        %add3A_942 = vector.broadcast %add3A_941 : i32 to vector<16xi32>
        %add3A_943 = arith.addi %get3A_940, %add3A_942 : vector<16xi32>
        tpu.vector_store_idx %arg8[%add3A_943], %broadcast_in_dim3A_1 : memref<16384xf32, #tpu.memory_space<vmem>>[vector<16xi32>], vector<16xf32>,
        %add3A_944 = arith.constant 240 : i32
        %add3A_945 = arith.addi %sub3A_838, %add3A_944 : i32
        %get3A_946 = arith.index_cast %add3A_945 : i32 to index
        %get3A_947 = tpu.vector_load %arg5[%get3A_946] {strides = array<i32>} : memref<8192xi32, #tpu.memory_space<vmem>>, vector<16xi32>,
        %add3A_948 = arith.constant 12288 : i32
        %add3A_949 = vector.broadcast %add3A_948 : i32 to vector<16xi32>
        %add3A_950 = arith.addi %get3A_947, %add3A_949 : vector<16xi32>
        tpu.vector_store_idx %arg8[%add3A_950], %broadcast_in_dim3A_1 : memref<16384xf32, #tpu.memory_space<vmem>>[vector<16xi32>], vector<16xf32>,
      } else {
      }
      %add3A_260 = arith.constant 0 : i32
      %add3A_261 = arith.addi %mul3A_254, %add3A_260 : i32
      %get3A_262 = arith.index_cast %add3A_261 : i32 to index
      %get3A_263 = tpu.vector_load %arg5[%get3A_262] {strides = array<i32>} : memref<8192xi32, #tpu.memory_space<vmem>>, vector<16xi32>,
      %add3A_264 = arith.constant 0 : i32
      %add3A_265 = vector.broadcast %add3A_264 : i32 to vector<16xi32>
      %add3A_266 = arith.addi %get3A_263, %add3A_265 : vector<16xi32>
      %add3A_267 = arith.constant 0 : i32
      %add3A_268 = arith.addi %mul3A_254, %add3A_267 : i32
      %get3A_269 = arith.index_cast %add3A_268 : i32 to index
      %get3A_270 = tpu.vector_load %arg6[%get3A_269] {strides = array<i32>} : memref<8192xf32, #tpu.memory_space<vmem>>, vector<16xf32>,
      tpu.vector_store_idx %arg8[%add3A_266], %get3A_270 : memref<16384xf32, #tpu.memory_space<vmem>>[vector<16xi32>], vector<16xf32>,
      %add3A_271 = arith.constant 16 : i32
      %add3A_272 = arith.addi %mul3A_254, %add3A_271 : i32
      %get3A_273 = arith.index_cast %add3A_272 : i32 to index
      %get3A_274 = tpu.vector_load %arg5[%get3A_273] {strides = array<i32>} : memref<8192xi32, #tpu.memory_space<vmem>>, vector<16xi32>,
      %add3A_275 = arith.constant 0 : i32
      %add3A_276 = vector.broadcast %add3A_275 : i32 to vector<16xi32>
      %add3A_277 = arith.addi %get3A_274, %add3A_276 : vector<16xi32>
      %add3A_278 = arith.constant 16 : i32
      %add3A_279 = arith.addi %mul3A_254, %add3A_278 : i32
      %get3A_280 = arith.index_cast %add3A_279 : i32 to index
      %get3A_281 = tpu.vector_load %arg6[%get3A_280] {strides = array<i32>} : memref<8192xf32, #tpu.memory_space<vmem>>, vector<16xf32>,
      tpu.vector_store_idx %arg8[%add3A_277], %get3A_281 : memref<16384xf32, #tpu.memory_space<vmem>>[vector<16xi32>], vector<16xf32>,
      %add3A_282 = arith.constant 32 : i32
      %add3A_283 = arith.addi %mul3A_254, %add3A_282 : i32
      %get3A_284 = arith.index_cast %add3A_283 : i32 to index
      %get3A_285 = tpu.vector_load %arg5[%get3A_284] {strides = array<i32>} : memref<8192xi32, #tpu.memory_space<vmem>>, vector<16xi32>,
      %add3A_286 = arith.constant 0 : i32
      %add3A_287 = vector.broadcast %add3A_286 : i32 to vector<16xi32>
      %add3A_288 = arith.addi %get3A_285, %add3A_287 : vector<16xi32>
      %add3A_289 = arith.constant 32 : i32
      %add3A_290 = arith.addi %mul3A_254, %add3A_289 : i32
      %get3A_291 = arith.index_cast %add3A_290 : i32 to index
      %get3A_292 = tpu.vector_load %arg6[%get3A_291] {strides = array<i32>} : memref<8192xf32, #tpu.memory_space<vmem>>, vector<16xf32>,
      tpu.vector_store_idx %arg8[%add3A_288], %get3A_292 : memref<16384xf32, #tpu.memory_space<vmem>>[vector<16xi32>], vector<16xf32>,
      %add3A_293 = arith.constant 48 : i32
      %add3A_294 = arith.addi %mul3A_254, %add3A_293 : i32
      %get3A_295 = arith.index_cast %add3A_294 : i32 to index
      %get3A_296 = tpu.vector_load %arg5[%get3A_295] {strides = array<i32>} : memref<8192xi32, #tpu.memory_space<vmem>>, vector<16xi32>,
      %add3A_297 = arith.constant 0 : i32
      %add3A_298 = vector.broadcast %add3A_297 : i32 to vector<16xi32>
      %add3A_299 = arith.addi %get3A_296, %add3A_298 : vector<16xi32>
      %add3A_300 = arith.constant 48 : i32
      %add3A_301 = arith.addi %mul3A_254, %add3A_300 : i32
      %get3A_302 = arith.index_cast %add3A_301 : i32 to index
      %get3A_303 = tpu.vector_load %arg6[%get3A_302] {strides = array<i32>} : memref<8192xf32, #tpu.memory_space<vmem>>, vector<16xf32>,
      tpu.vector_store_idx %arg8[%add3A_299], %get3A_303 : memref<16384xf32, #tpu.memory_space<vmem>>[vector<16xi32>], vector<16xf32>,
      %add3A_304 = arith.constant 64 : i32
      %add3A_305 = arith.addi %mul3A_254, %add3A_304 : i32
      %get3A_306 = arith.index_cast %add3A_305 : i32 to index
      %get3A_307 = tpu.vector_load %arg5[%get3A_306] {strides = array<i32>} : memref<8192xi32, #tpu.memory_space<vmem>>, vector<16xi32>,
      %add3A_308 = arith.constant 4096 : i32
      %add3A_309 = vector.broadcast %add3A_308 : i32 to vector<16xi32>
      %add3A_310 = arith.addi %get3A_307, %add3A_309 : vector<16xi32>
      %add3A_311 = arith.constant 64 : i32
      %add3A_312 = arith.addi %mul3A_254, %add3A_311 : i32
      %get3A_313 = arith.index_cast %add3A_312 : i32 to index
      %get3A_314 = tpu.vector_load %arg6[%get3A_313] {strides = array<i32>} : memref<8192xf32, #tpu.memory_space<vmem>>, vector<16xf32>,
      tpu.vector_store_idx %arg8[%add3A_310], %get3A_314 : memref<16384xf32, #tpu.memory_space<vmem>>[vector<16xi32>], vector<16xf32>,
      %add3A_315 = arith.constant 80 : i32
      %add3A_316 = arith.addi %mul3A_254, %add3A_315 : i32
      %get3A_317 = arith.index_cast %add3A_316 : i32 to index
      %get3A_318 = tpu.vector_load %arg5[%get3A_317] {strides = array<i32>} : memref<8192xi32, #tpu.memory_space<vmem>>, vector<16xi32>,
      %add3A_319 = arith.constant 4096 : i32
      %add3A_320 = vector.broadcast %add3A_319 : i32 to vector<16xi32>
      %add3A_321 = arith.addi %get3A_318, %add3A_320 : vector<16xi32>
      %add3A_322 = arith.constant 80 : i32
      %add3A_323 = arith.addi %mul3A_254, %add3A_322 : i32
      %get3A_324 = arith.index_cast %add3A_323 : i32 to index
      %get3A_325 = tpu.vector_load %arg6[%get3A_324] {strides = array<i32>} : memref<8192xf32, #tpu.memory_space<vmem>>, vector<16xf32>,
      tpu.vector_store_idx %arg8[%add3A_321], %get3A_325 : memref<16384xf32, #tpu.memory_space<vmem>>[vector<16xi32>], vector<16xf32>,
      %add3A_326 = arith.constant 96 : i32
      %add3A_327 = arith.addi %mul3A_254, %add3A_326 : i32
      %get3A_328 = arith.index_cast %add3A_327 : i32 to index
      %get3A_329 = tpu.vector_load %arg5[%get3A_328] {strides = array<i32>} : memref<8192xi32, #tpu.memory_space<vmem>>, vector<16xi32>,
      %add3A_330 = arith.constant 4096 : i32
      %add3A_331 = vector.broadcast %add3A_330 : i32 to vector<16xi32>
      %add3A_332 = arith.addi %get3A_329, %add3A_331 : vector<16xi32>
      %add3A_333 = arith.constant 96 : i32
      %add3A_334 = arith.addi %mul3A_254, %add3A_333 : i32
      %get3A_335 = arith.index_cast %add3A_334 : i32 to index
      %get3A_336 = tpu.vector_load %arg6[%get3A_335] {strides = array<i32>} : memref<8192xf32, #tpu.memory_space<vmem>>, vector<16xf32>,
      tpu.vector_store_idx %arg8[%add3A_332], %get3A_336 : memref<16384xf32, #tpu.memory_space<vmem>>[vector<16xi32>], vector<16xf32>,
      %add3A_337 = arith.constant 112 : i32
      %add3A_338 = arith.addi %mul3A_254, %add3A_337 : i32
      %get3A_339 = arith.index_cast %add3A_338 : i32 to index
      %get3A_340 = tpu.vector_load %arg5[%get3A_339] {strides = array<i32>} : memref<8192xi32, #tpu.memory_space<vmem>>, vector<16xi32>,
      %add3A_341 = arith.constant 4096 : i32
      %add3A_342 = vector.broadcast %add3A_341 : i32 to vector<16xi32>
      %add3A_343 = arith.addi %get3A_340, %add3A_342 : vector<16xi32>
      %add3A_344 = arith.constant 112 : i32
      %add3A_345 = arith.addi %mul3A_254, %add3A_344 : i32
      %get3A_346 = arith.index_cast %add3A_345 : i32 to index
      %get3A_347 = tpu.vector_load %arg6[%get3A_346] {strides = array<i32>} : memref<8192xf32, #tpu.memory_space<vmem>>, vector<16xf32>,
      tpu.vector_store_idx %arg8[%add3A_343], %get3A_347 : memref<16384xf32, #tpu.memory_space<vmem>>[vector<16xi32>], vector<16xf32>,
      %add3A_348 = arith.constant 128 : i32
      %add3A_349 = arith.addi %mul3A_254, %add3A_348 : i32
      %get3A_350 = arith.index_cast %add3A_349 : i32 to index
      %get3A_351 = tpu.vector_load %arg5[%get3A_350] {strides = array<i32>} : memref<8192xi32, #tpu.memory_space<vmem>>, vector<16xi32>,
      %add3A_352 = arith.constant 8192 : i32
      %add3A_353 = vector.broadcast %add3A_352 : i32 to vector<16xi32>
      %add3A_354 = arith.addi %get3A_351, %add3A_353 : vector<16xi32>
      %add3A_355 = arith.constant 128 : i32
      %add3A_356 = arith.addi %mul3A_254, %add3A_355 : i32
      %get3A_357 = arith.index_cast %add3A_356 : i32 to index
      %get3A_358 = tpu.vector_load %arg6[%get3A_357] {strides = array<i32>} : memref<8192xf32, #tpu.memory_space<vmem>>, vector<16xf32>,
      tpu.vector_store_idx %arg8[%add3A_354], %get3A_358 : memref<16384xf32, #tpu.memory_space<vmem>>[vector<16xi32>], vector<16xf32>,
      %add3A_359 = arith.constant 144 : i32
      %add3A_360 = arith.addi %mul3A_254, %add3A_359 : i32
      %get3A_361 = arith.index_cast %add3A_360 : i32 to index
      %get3A_362 = tpu.vector_load %arg5[%get3A_361] {strides = array<i32>} : memref<8192xi32, #tpu.memory_space<vmem>>, vector<16xi32>,
      %add3A_363 = arith.constant 8192 : i32
      %add3A_364 = vector.broadcast %add3A_363 : i32 to vector<16xi32>
      %add3A_365 = arith.addi %get3A_362, %add3A_364 : vector<16xi32>
      %add3A_366 = arith.constant 144 : i32
      %add3A_367 = arith.addi %mul3A_254, %add3A_366 : i32
      %get3A_368 = arith.index_cast %add3A_367 : i32 to index
      %get3A_369 = tpu.vector_load %arg6[%get3A_368] {strides = array<i32>} : memref<8192xf32, #tpu.memory_space<vmem>>, vector<16xf32>,
      tpu.vector_store_idx %arg8[%add3A_365], %get3A_369 : memref<16384xf32, #tpu.memory_space<vmem>>[vector<16xi32>], vector<16xf32>,
      %add3A_370 = arith.constant 160 : i32
      %add3A_371 = arith.addi %mul3A_254, %add3A_370 : i32
      %get3A_372 = arith.index_cast %add3A_371 : i32 to index
      %get3A_373 = tpu.vector_load %arg5[%get3A_372] {strides = array<i32>} : memref<8192xi32, #tpu.memory_space<vmem>>, vector<16xi32>,
      %add3A_374 = arith.constant 8192 : i32
      %add3A_375 = vector.broadcast %add3A_374 : i32 to vector<16xi32>
      %add3A_376 = arith.addi %get3A_373, %add3A_375 : vector<16xi32>
      %add3A_377 = arith.constant 160 : i32
      %add3A_378 = arith.addi %mul3A_254, %add3A_377 : i32
      %get3A_379 = arith.index_cast %add3A_378 : i32 to index
      %get3A_380 = tpu.vector_load %arg6[%get3A_379] {strides = array<i32>} : memref<8192xf32, #tpu.memory_space<vmem>>, vector<16xf32>,
      tpu.vector_store_idx %arg8[%add3A_376], %get3A_380 : memref<16384xf32, #tpu.memory_space<vmem>>[vector<16xi32>], vector<16xf32>,
      %add3A_381 = arith.constant 176 : i32
      %add3A_382 = arith.addi %mul3A_254, %add3A_381 : i32
      %get3A_383 = arith.index_cast %add3A_382 : i32 to index
      %get3A_384 = tpu.vector_load %arg5[%get3A_383] {strides = array<i32>} : memref<8192xi32, #tpu.memory_space<vmem>>, vector<16xi32>,
      %add3A_385 = arith.constant 8192 : i32
      %add3A_386 = vector.broadcast %add3A_385 : i32 to vector<16xi32>
      %add3A_387 = arith.addi %get3A_384, %add3A_386 : vector<16xi32>
      %add3A_388 = arith.constant 176 : i32
      %add3A_389 = arith.addi %mul3A_254, %add3A_388 : i32
      %get3A_390 = arith.index_cast %add3A_389 : i32 to index
      %get3A_391 = tpu.vector_load %arg6[%get3A_390] {strides = array<i32>} : memref<8192xf32, #tpu.memory_space<vmem>>, vector<16xf32>,
      tpu.vector_store_idx %arg8[%add3A_387], %get3A_391 : memref<16384xf32, #tpu.memory_space<vmem>>[vector<16xi32>], vector<16xf32>,
      %add3A_392 = arith.constant 192 : i32
      %add3A_393 = arith.addi %mul3A_254, %add3A_392 : i32
      %get3A_394 = arith.index_cast %add3A_393 : i32 to index
      %get3A_395 = tpu.vector_load %arg5[%get3A_394] {strides = array<i32>} : memref<8192xi32, #tpu.memory_space<vmem>>, vector<16xi32>,
      %add3A_396 = arith.constant 12288 : i32
      %add3A_397 = vector.broadcast %add3A_396 : i32 to vector<16xi32>
      %add3A_398 = arith.addi %get3A_395, %add3A_397 : vector<16xi32>
      %add3A_399 = arith.constant 192 : i32
      %add3A_400 = arith.addi %mul3A_254, %add3A_399 : i32
      %get3A_401 = arith.index_cast %add3A_400 : i32 to index
      %get3A_402 = tpu.vector_load %arg6[%get3A_401] {strides = array<i32>} : memref<8192xf32, #tpu.memory_space<vmem>>, vector<16xf32>,
      tpu.vector_store_idx %arg8[%add3A_398], %get3A_402 : memref<16384xf32, #tpu.memory_space<vmem>>[vector<16xi32>], vector<16xf32>,
      %add3A_403 = arith.constant 208 : i32
      %add3A_404 = arith.addi %mul3A_254, %add3A_403 : i32
      %get3A_405 = arith.index_cast %add3A_404 : i32 to index
      %get3A_406 = tpu.vector_load %arg5[%get3A_405] {strides = array<i32>} : memref<8192xi32, #tpu.memory_space<vmem>>, vector<16xi32>,
      %add3A_407 = arith.constant 12288 : i32
      %add3A_408 = vector.broadcast %add3A_407 : i32 to vector<16xi32>
      %add3A_409 = arith.addi %get3A_406, %add3A_408 : vector<16xi32>
      %add3A_410 = arith.constant 208 : i32
      %add3A_411 = arith.addi %mul3A_254, %add3A_410 : i32
      %get3A_412 = arith.index_cast %add3A_411 : i32 to index
      %get3A_413 = tpu.vector_load %arg6[%get3A_412] {strides = array<i32>} : memref<8192xf32, #tpu.memory_space<vmem>>, vector<16xf32>,
      tpu.vector_store_idx %arg8[%add3A_409], %get3A_413 : memref<16384xf32, #tpu.memory_space<vmem>>[vector<16xi32>], vector<16xf32>,
      %add3A_414 = arith.constant 224 : i32
      %add3A_415 = arith.addi %mul3A_254, %add3A_414 : i32
      %get3A_416 = arith.index_cast %add3A_415 : i32 to index
      %get3A_417 = tpu.vector_load %arg5[%get3A_416] {strides = array<i32>} : memref<8192xi32, #tpu.memory_space<vmem>>, vector<16xi32>,
      %add3A_418 = arith.constant 12288 : i32
      %add3A_419 = vector.broadcast %add3A_418 : i32 to vector<16xi32>
      %add3A_420 = arith.addi %get3A_417, %add3A_419 : vector<16xi32>
      %add3A_421 = arith.constant 224 : i32
      %add3A_422 = arith.addi %mul3A_254, %add3A_421 : i32
      %get3A_423 = arith.index_cast %add3A_422 : i32 to index
      %get3A_424 = tpu.vector_load %arg6[%get3A_423] {strides = array<i32>} : memref<8192xf32, #tpu.memory_space<vmem>>, vector<16xf32>,
      tpu.vector_store_idx %arg8[%add3A_420], %get3A_424 : memref<16384xf32, #tpu.memory_space<vmem>>[vector<16xi32>], vector<16xf32>,
      %add3A_425 = arith.constant 240 : i32
      %add3A_426 = arith.addi %mul3A_254, %add3A_425 : i32
      %get3A_427 = arith.index_cast %add3A_426 : i32 to index
      %get3A_428 = tpu.vector_load %arg5[%get3A_427] {strides = array<i32>} : memref<8192xi32, #tpu.memory_space<vmem>>, vector<16xi32>,
      %add3A_429 = arith.constant 12288 : i32
      %add3A_430 = vector.broadcast %add3A_429 : i32 to vector<16xi32>
      %add3A_431 = arith.addi %get3A_428, %add3A_430 : vector<16xi32>
      %add3A_432 = arith.constant 240 : i32
      %add3A_433 = arith.addi %mul3A_254, %add3A_432 : i32
      %get3A_434 = arith.index_cast %add3A_433 : i32 to index
      %get3A_435 = tpu.vector_load %arg6[%get3A_434] {strides = array<i32>} : memref<8192xf32, #tpu.memory_space<vmem>>, vector<16xf32>,
      tpu.vector_store_idx %arg8[%add3A_431], %get3A_435 : memref<16384xf32, #tpu.memory_space<vmem>>[vector<16xi32>], vector<16xf32>,
      %mul3A_436 = arith.constant 4096 : i32
      %mul3A_437 = arith.muli %add3A_250, %mul3A_436 : i32
      %dma_start3A_438 = tpu.memref_slice %arg4[%mul3A_437] : memref<16777216xf32, #tpu.memory_space<hbm>> -> memref<16384xf32, #tpu.memory_space<hbm>>
      %dma_start3A_439 = tpu.memref_slice %arg4[%mul3A_437] : memref<16777216xf32, #tpu.memory_space<hbm>> -> memref<16384xf32, #tpu.memory_space<hbm>>
      tpu.enqueue_dma source(%arg8 : memref<16384xf32, #tpu.memory_space<vmem>>) target(%dma_start3A_439 : memref<16384xf32, #tpu.memory_space<hbm>>) target_semaphore(%arg12 : memref<!tpu.dma_semaphore, #tpu.memory_space<semaphore_mem>>)
      %mul3A_440 = arith.constant 4 : i32
      %mul3A_441 = arith.muli %mul3A_440, %scan3A_51 : i32
      %add3A_442 = arith.constant 2 : i32
      %add3A_443 = arith.addi %mul3A_441, %add3A_442 : i32
      %mul3A_444 = arith.constant 4 : i32
      %mul3A_445 = arith.muli %add3A_443, %mul3A_444 : i32
      %add3A_446 = arith.addi %mul3A_3, %mul3A_445 : i32
      %mul3A_447 = arith.constant 4 : i32
      %mul3A_448 = arith.muli %add3A_443, %mul3A_447 : i32
      %mul3A_449 = arith.constant 64 : i32
      %mul3A_450 = arith.muli %mul3A_448, %mul3A_449 : i32
      %gt3A_451 = arith.constant 0 : i32
      %gt3A_452 = arith.cmpi sgt, %scan3A_51, %gt3A_451 : i32
      %convert_element_type3A_453 = arith.extui %gt3A_452 : i1 to i32
      %cond3A_454 = arith.constant 0 : i32
      %cond3A_455 = arith.cmpi ne, %convert_element_type3A_453, %cond3A_454 : i32
      scf.if %cond3A_455 {
        %sub3A = arith.constant 16 : i32
        %sub3A_832 = arith.subi %add3A_446, %sub3A : i32
        %mul3A_833 = arith.constant 4096 : i32
        %mul3A_834 = arith.muli %sub3A_832, %mul3A_833 : i32
        %dma_wait3A_835 = tpu.memref_slice %arg4[%mul3A_834] : memref<16777216xf32, #tpu.memory_space<hbm>> -> memref<16384xf32, #tpu.memory_space<hbm>>
        %dma_wait3A_836 = tpu.memref_slice %arg4[%mul3A_834] : memref<16777216xf32, #tpu.memory_space<hbm>> -> memref<16384xf32, #tpu.memory_space<hbm>>
        tpu.wait_dma2 semaphore(%arg13 : memref<!tpu.dma_semaphore, #tpu.memory_space<semaphore_mem>>) src(%arg9 : memref<16384xf32, #tpu.memory_space<vmem>>) dst(%dma_wait3A_836 : memref<16384xf32, #tpu.memory_space<hbm>>)
        %sub3A_837 = arith.constant 1024 : i32
        %sub3A_838 = arith.subi %mul3A_450, %sub3A_837 : i32
        %add3A_839 = arith.constant 0 : i32
        %add3A_840 = arith.addi %sub3A_838, %add3A_839 : i32
        %get3A_841 = arith.index_cast %add3A_840 : i32 to index
        %get3A_842 = tpu.vector_load %arg5[%get3A_841] {strides = array<i32>} : memref<8192xi32, #tpu.memory_space<vmem>>, vector<16xi32>,
        %add3A_843 = arith.constant 0 : i32
        %add3A_844 = vector.broadcast %add3A_843 : i32 to vector<16xi32>
        %add3A_845 = arith.addi %get3A_842, %add3A_844 : vector<16xi32>
        tpu.vector_store_idx %arg9[%add3A_845], %broadcast_in_dim3A_1 : memref<16384xf32, #tpu.memory_space<vmem>>[vector<16xi32>], vector<16xf32>,
        %add3A_846 = arith.constant 16 : i32
        %add3A_847 = arith.addi %sub3A_838, %add3A_846 : i32
        %get3A_848 = arith.index_cast %add3A_847 : i32 to index
        %get3A_849 = tpu.vector_load %arg5[%get3A_848] {strides = array<i32>} : memref<8192xi32, #tpu.memory_space<vmem>>, vector<16xi32>,
        %add3A_850 = arith.constant 0 : i32
        %add3A_851 = vector.broadcast %add3A_850 : i32 to vector<16xi32>
        %add3A_852 = arith.addi %get3A_849, %add3A_851 : vector<16xi32>
        tpu.vector_store_idx %arg9[%add3A_852], %broadcast_in_dim3A_1 : memref<16384xf32, #tpu.memory_space<vmem>>[vector<16xi32>], vector<16xf32>,
        %add3A_853 = arith.constant 32 : i32
        %add3A_854 = arith.addi %sub3A_838, %add3A_853 : i32
        %get3A_855 = arith.index_cast %add3A_854 : i32 to index
        %get3A_856 = tpu.vector_load %arg5[%get3A_855] {strides = array<i32>} : memref<8192xi32, #tpu.memory_space<vmem>>, vector<16xi32>,
        %add3A_857 = arith.constant 0 : i32
        %add3A_858 = vector.broadcast %add3A_857 : i32 to vector<16xi32>
        %add3A_859 = arith.addi %get3A_856, %add3A_858 : vector<16xi32>
        tpu.vector_store_idx %arg9[%add3A_859], %broadcast_in_dim3A_1 : memref<16384xf32, #tpu.memory_space<vmem>>[vector<16xi32>], vector<16xf32>,
        %add3A_860 = arith.constant 48 : i32
        %add3A_861 = arith.addi %sub3A_838, %add3A_860 : i32
        %get3A_862 = arith.index_cast %add3A_861 : i32 to index
        %get3A_863 = tpu.vector_load %arg5[%get3A_862] {strides = array<i32>} : memref<8192xi32, #tpu.memory_space<vmem>>, vector<16xi32>,
        %add3A_864 = arith.constant 0 : i32
        %add3A_865 = vector.broadcast %add3A_864 : i32 to vector<16xi32>
        %add3A_866 = arith.addi %get3A_863, %add3A_865 : vector<16xi32>
        tpu.vector_store_idx %arg9[%add3A_866], %broadcast_in_dim3A_1 : memref<16384xf32, #tpu.memory_space<vmem>>[vector<16xi32>], vector<16xf32>,
        %add3A_867 = arith.constant 64 : i32
        %add3A_868 = arith.addi %sub3A_838, %add3A_867 : i32
        %get3A_869 = arith.index_cast %add3A_868 : i32 to index
        %get3A_870 = tpu.vector_load %arg5[%get3A_869] {strides = array<i32>} : memref<8192xi32, #tpu.memory_space<vmem>>, vector<16xi32>,
        %add3A_871 = arith.constant 4096 : i32
        %add3A_872 = vector.broadcast %add3A_871 : i32 to vector<16xi32>
        %add3A_873 = arith.addi %get3A_870, %add3A_872 : vector<16xi32>
        tpu.vector_store_idx %arg9[%add3A_873], %broadcast_in_dim3A_1 : memref<16384xf32, #tpu.memory_space<vmem>>[vector<16xi32>], vector<16xf32>,
        %add3A_874 = arith.constant 80 : i32
        %add3A_875 = arith.addi %sub3A_838, %add3A_874 : i32
        %get3A_876 = arith.index_cast %add3A_875 : i32 to index
        %get3A_877 = tpu.vector_load %arg5[%get3A_876] {strides = array<i32>} : memref<8192xi32, #tpu.memory_space<vmem>>, vector<16xi32>,
        %add3A_878 = arith.constant 4096 : i32
        %add3A_879 = vector.broadcast %add3A_878 : i32 to vector<16xi32>
        %add3A_880 = arith.addi %get3A_877, %add3A_879 : vector<16xi32>
        tpu.vector_store_idx %arg9[%add3A_880], %broadcast_in_dim3A_1 : memref<16384xf32, #tpu.memory_space<vmem>>[vector<16xi32>], vector<16xf32>,
        %add3A_881 = arith.constant 96 : i32
        %add3A_882 = arith.addi %sub3A_838, %add3A_881 : i32
        %get3A_883 = arith.index_cast %add3A_882 : i32 to index
        %get3A_884 = tpu.vector_load %arg5[%get3A_883] {strides = array<i32>} : memref<8192xi32, #tpu.memory_space<vmem>>, vector<16xi32>,
        %add3A_885 = arith.constant 4096 : i32
        %add3A_886 = vector.broadcast %add3A_885 : i32 to vector<16xi32>
        %add3A_887 = arith.addi %get3A_884, %add3A_886 : vector<16xi32>
        tpu.vector_store_idx %arg9[%add3A_887], %broadcast_in_dim3A_1 : memref<16384xf32, #tpu.memory_space<vmem>>[vector<16xi32>], vector<16xf32>,
        %add3A_888 = arith.constant 112 : i32
        %add3A_889 = arith.addi %sub3A_838, %add3A_888 : i32
        %get3A_890 = arith.index_cast %add3A_889 : i32 to index
        %get3A_891 = tpu.vector_load %arg5[%get3A_890] {strides = array<i32>} : memref<8192xi32, #tpu.memory_space<vmem>>, vector<16xi32>,
        %add3A_892 = arith.constant 4096 : i32
        %add3A_893 = vector.broadcast %add3A_892 : i32 to vector<16xi32>
        %add3A_894 = arith.addi %get3A_891, %add3A_893 : vector<16xi32>
        tpu.vector_store_idx %arg9[%add3A_894], %broadcast_in_dim3A_1 : memref<16384xf32, #tpu.memory_space<vmem>>[vector<16xi32>], vector<16xf32>,
        %add3A_895 = arith.constant 128 : i32
        %add3A_896 = arith.addi %sub3A_838, %add3A_895 : i32
        %get3A_897 = arith.index_cast %add3A_896 : i32 to index
        %get3A_898 = tpu.vector_load %arg5[%get3A_897] {strides = array<i32>} : memref<8192xi32, #tpu.memory_space<vmem>>, vector<16xi32>,
        %add3A_899 = arith.constant 8192 : i32
        %add3A_900 = vector.broadcast %add3A_899 : i32 to vector<16xi32>
        %add3A_901 = arith.addi %get3A_898, %add3A_900 : vector<16xi32>
        tpu.vector_store_idx %arg9[%add3A_901], %broadcast_in_dim3A_1 : memref<16384xf32, #tpu.memory_space<vmem>>[vector<16xi32>], vector<16xf32>,
        %add3A_902 = arith.constant 144 : i32
        %add3A_903 = arith.addi %sub3A_838, %add3A_902 : i32
        %get3A_904 = arith.index_cast %add3A_903 : i32 to index
        %get3A_905 = tpu.vector_load %arg5[%get3A_904] {strides = array<i32>} : memref<8192xi32, #tpu.memory_space<vmem>>, vector<16xi32>,
        %add3A_906 = arith.constant 8192 : i32
        %add3A_907 = vector.broadcast %add3A_906 : i32 to vector<16xi32>
        %add3A_908 = arith.addi %get3A_905, %add3A_907 : vector<16xi32>
        tpu.vector_store_idx %arg9[%add3A_908], %broadcast_in_dim3A_1 : memref<16384xf32, #tpu.memory_space<vmem>>[vector<16xi32>], vector<16xf32>,
        %add3A_909 = arith.constant 160 : i32
        %add3A_910 = arith.addi %sub3A_838, %add3A_909 : i32
        %get3A_911 = arith.index_cast %add3A_910 : i32 to index
        %get3A_912 = tpu.vector_load %arg5[%get3A_911] {strides = array<i32>} : memref<8192xi32, #tpu.memory_space<vmem>>, vector<16xi32>,
        %add3A_913 = arith.constant 8192 : i32
        %add3A_914 = vector.broadcast %add3A_913 : i32 to vector<16xi32>
        %add3A_915 = arith.addi %get3A_912, %add3A_914 : vector<16xi32>
        tpu.vector_store_idx %arg9[%add3A_915], %broadcast_in_dim3A_1 : memref<16384xf32, #tpu.memory_space<vmem>>[vector<16xi32>], vector<16xf32>,
        %add3A_916 = arith.constant 176 : i32
        %add3A_917 = arith.addi %sub3A_838, %add3A_916 : i32
        %get3A_918 = arith.index_cast %add3A_917 : i32 to index
        %get3A_919 = tpu.vector_load %arg5[%get3A_918] {strides = array<i32>} : memref<8192xi32, #tpu.memory_space<vmem>>, vector<16xi32>,
        %add3A_920 = arith.constant 8192 : i32
        %add3A_921 = vector.broadcast %add3A_920 : i32 to vector<16xi32>
        %add3A_922 = arith.addi %get3A_919, %add3A_921 : vector<16xi32>
        tpu.vector_store_idx %arg9[%add3A_922], %broadcast_in_dim3A_1 : memref<16384xf32, #tpu.memory_space<vmem>>[vector<16xi32>], vector<16xf32>,
        %add3A_923 = arith.constant 192 : i32
        %add3A_924 = arith.addi %sub3A_838, %add3A_923 : i32
        %get3A_925 = arith.index_cast %add3A_924 : i32 to index
        %get3A_926 = tpu.vector_load %arg5[%get3A_925] {strides = array<i32>} : memref<8192xi32, #tpu.memory_space<vmem>>, vector<16xi32>,
        %add3A_927 = arith.constant 12288 : i32
        %add3A_928 = vector.broadcast %add3A_927 : i32 to vector<16xi32>
        %add3A_929 = arith.addi %get3A_926, %add3A_928 : vector<16xi32>
        tpu.vector_store_idx %arg9[%add3A_929], %broadcast_in_dim3A_1 : memref<16384xf32, #tpu.memory_space<vmem>>[vector<16xi32>], vector<16xf32>,
        %add3A_930 = arith.constant 208 : i32
        %add3A_931 = arith.addi %sub3A_838, %add3A_930 : i32
        %get3A_932 = arith.index_cast %add3A_931 : i32 to index
        %get3A_933 = tpu.vector_load %arg5[%get3A_932] {strides = array<i32>} : memref<8192xi32, #tpu.memory_space<vmem>>, vector<16xi32>,
        %add3A_934 = arith.constant 12288 : i32
        %add3A_935 = vector.broadcast %add3A_934 : i32 to vector<16xi32>
        %add3A_936 = arith.addi %get3A_933, %add3A_935 : vector<16xi32>
        tpu.vector_store_idx %arg9[%add3A_936], %broadcast_in_dim3A_1 : memref<16384xf32, #tpu.memory_space<vmem>>[vector<16xi32>], vector<16xf32>,
        %add3A_937 = arith.constant 224 : i32
        %add3A_938 = arith.addi %sub3A_838, %add3A_937 : i32
        %get3A_939 = arith.index_cast %add3A_938 : i32 to index
        %get3A_940 = tpu.vector_load %arg5[%get3A_939] {strides = array<i32>} : memref<8192xi32, #tpu.memory_space<vmem>>, vector<16xi32>,
        %add3A_941 = arith.constant 12288 : i32
        %add3A_942 = vector.broadcast %add3A_941 : i32 to vector<16xi32>
        %add3A_943 = arith.addi %get3A_940, %add3A_942 : vector<16xi32>
        tpu.vector_store_idx %arg9[%add3A_943], %broadcast_in_dim3A_1 : memref<16384xf32, #tpu.memory_space<vmem>>[vector<16xi32>], vector<16xf32>,
        %add3A_944 = arith.constant 240 : i32
        %add3A_945 = arith.addi %sub3A_838, %add3A_944 : i32
        %get3A_946 = arith.index_cast %add3A_945 : i32 to index
        %get3A_947 = tpu.vector_load %arg5[%get3A_946] {strides = array<i32>} : memref<8192xi32, #tpu.memory_space<vmem>>, vector<16xi32>,
        %add3A_948 = arith.constant 12288 : i32
        %add3A_949 = vector.broadcast %add3A_948 : i32 to vector<16xi32>
        %add3A_950 = arith.addi %get3A_947, %add3A_949 : vector<16xi32>
        tpu.vector_store_idx %arg9[%add3A_950], %broadcast_in_dim3A_1 : memref<16384xf32, #tpu.memory_space<vmem>>[vector<16xi32>], vector<16xf32>,
      } else {
      }
      %add3A_456 = arith.constant 0 : i32
      %add3A_457 = arith.addi %mul3A_450, %add3A_456 : i32
      %get3A_458 = arith.index_cast %add3A_457 : i32 to index
      %get3A_459 = tpu.vector_load %arg5[%get3A_458] {strides = array<i32>} : memref<8192xi32, #tpu.memory_space<vmem>>, vector<16xi32>,
      %add3A_460 = arith.constant 0 : i32
      %add3A_461 = vector.broadcast %add3A_460 : i32 to vector<16xi32>
      %add3A_462 = arith.addi %get3A_459, %add3A_461 : vector<16xi32>
      %add3A_463 = arith.constant 0 : i32
      %add3A_464 = arith.addi %mul3A_450, %add3A_463 : i32
      %get3A_465 = arith.index_cast %add3A_464 : i32 to index
      %get3A_466 = tpu.vector_load %arg6[%get3A_465] {strides = array<i32>} : memref<8192xf32, #tpu.memory_space<vmem>>, vector<16xf32>,
      tpu.vector_store_idx %arg9[%add3A_462], %get3A_466 : memref<16384xf32, #tpu.memory_space<vmem>>[vector<16xi32>], vector<16xf32>,
      %add3A_467 = arith.constant 16 : i32
      %add3A_468 = arith.addi %mul3A_450, %add3A_467 : i32
      %get3A_469 = arith.index_cast %add3A_468 : i32 to index
      %get3A_470 = tpu.vector_load %arg5[%get3A_469] {strides = array<i32>} : memref<8192xi32, #tpu.memory_space<vmem>>, vector<16xi32>,
      %add3A_471 = arith.constant 0 : i32
      %add3A_472 = vector.broadcast %add3A_471 : i32 to vector<16xi32>
      %add3A_473 = arith.addi %get3A_470, %add3A_472 : vector<16xi32>
      %add3A_474 = arith.constant 16 : i32
      %add3A_475 = arith.addi %mul3A_450, %add3A_474 : i32
      %get3A_476 = arith.index_cast %add3A_475 : i32 to index
      %get3A_477 = tpu.vector_load %arg6[%get3A_476] {strides = array<i32>} : memref<8192xf32, #tpu.memory_space<vmem>>, vector<16xf32>,
      tpu.vector_store_idx %arg9[%add3A_473], %get3A_477 : memref<16384xf32, #tpu.memory_space<vmem>>[vector<16xi32>], vector<16xf32>,
      %add3A_478 = arith.constant 32 : i32
      %add3A_479 = arith.addi %mul3A_450, %add3A_478 : i32
      %get3A_480 = arith.index_cast %add3A_479 : i32 to index
      %get3A_481 = tpu.vector_load %arg5[%get3A_480] {strides = array<i32>} : memref<8192xi32, #tpu.memory_space<vmem>>, vector<16xi32>,
      %add3A_482 = arith.constant 0 : i32
      %add3A_483 = vector.broadcast %add3A_482 : i32 to vector<16xi32>
      %add3A_484 = arith.addi %get3A_481, %add3A_483 : vector<16xi32>
      %add3A_485 = arith.constant 32 : i32
      %add3A_486 = arith.addi %mul3A_450, %add3A_485 : i32
      %get3A_487 = arith.index_cast %add3A_486 : i32 to index
      %get3A_488 = tpu.vector_load %arg6[%get3A_487] {strides = array<i32>} : memref<8192xf32, #tpu.memory_space<vmem>>, vector<16xf32>,
      tpu.vector_store_idx %arg9[%add3A_484], %get3A_488 : memref<16384xf32, #tpu.memory_space<vmem>>[vector<16xi32>], vector<16xf32>,
      %add3A_489 = arith.constant 48 : i32
      %add3A_490 = arith.addi %mul3A_450, %add3A_489 : i32
      %get3A_491 = arith.index_cast %add3A_490 : i32 to index
      %get3A_492 = tpu.vector_load %arg5[%get3A_491] {strides = array<i32>} : memref<8192xi32, #tpu.memory_space<vmem>>, vector<16xi32>,
      %add3A_493 = arith.constant 0 : i32
      %add3A_494 = vector.broadcast %add3A_493 : i32 to vector<16xi32>
      %add3A_495 = arith.addi %get3A_492, %add3A_494 : vector<16xi32>
      %add3A_496 = arith.constant 48 : i32
      %add3A_497 = arith.addi %mul3A_450, %add3A_496 : i32
      %get3A_498 = arith.index_cast %add3A_497 : i32 to index
      %get3A_499 = tpu.vector_load %arg6[%get3A_498] {strides = array<i32>} : memref<8192xf32, #tpu.memory_space<vmem>>, vector<16xf32>,
      tpu.vector_store_idx %arg9[%add3A_495], %get3A_499 : memref<16384xf32, #tpu.memory_space<vmem>>[vector<16xi32>], vector<16xf32>,
      %add3A_500 = arith.constant 64 : i32
      %add3A_501 = arith.addi %mul3A_450, %add3A_500 : i32
      %get3A_502 = arith.index_cast %add3A_501 : i32 to index
      %get3A_503 = tpu.vector_load %arg5[%get3A_502] {strides = array<i32>} : memref<8192xi32, #tpu.memory_space<vmem>>, vector<16xi32>,
      %add3A_504 = arith.constant 4096 : i32
      %add3A_505 = vector.broadcast %add3A_504 : i32 to vector<16xi32>
      %add3A_506 = arith.addi %get3A_503, %add3A_505 : vector<16xi32>
      %add3A_507 = arith.constant 64 : i32
      %add3A_508 = arith.addi %mul3A_450, %add3A_507 : i32
      %get3A_509 = arith.index_cast %add3A_508 : i32 to index
      %get3A_510 = tpu.vector_load %arg6[%get3A_509] {strides = array<i32>} : memref<8192xf32, #tpu.memory_space<vmem>>, vector<16xf32>,
      tpu.vector_store_idx %arg9[%add3A_506], %get3A_510 : memref<16384xf32, #tpu.memory_space<vmem>>[vector<16xi32>], vector<16xf32>,
      %add3A_511 = arith.constant 80 : i32
      %add3A_512 = arith.addi %mul3A_450, %add3A_511 : i32
      %get3A_513 = arith.index_cast %add3A_512 : i32 to index
      %get3A_514 = tpu.vector_load %arg5[%get3A_513] {strides = array<i32>} : memref<8192xi32, #tpu.memory_space<vmem>>, vector<16xi32>,
      %add3A_515 = arith.constant 4096 : i32
      %add3A_516 = vector.broadcast %add3A_515 : i32 to vector<16xi32>
      %add3A_517 = arith.addi %get3A_514, %add3A_516 : vector<16xi32>
      %add3A_518 = arith.constant 80 : i32
      %add3A_519 = arith.addi %mul3A_450, %add3A_518 : i32
      %get3A_520 = arith.index_cast %add3A_519 : i32 to index
      %get3A_521 = tpu.vector_load %arg6[%get3A_520] {strides = array<i32>} : memref<8192xf32, #tpu.memory_space<vmem>>, vector<16xf32>,
      tpu.vector_store_idx %arg9[%add3A_517], %get3A_521 : memref<16384xf32, #tpu.memory_space<vmem>>[vector<16xi32>], vector<16xf32>,
      %add3A_522 = arith.constant 96 : i32
      %add3A_523 = arith.addi %mul3A_450, %add3A_522 : i32
      %get3A_524 = arith.index_cast %add3A_523 : i32 to index
      %get3A_525 = tpu.vector_load %arg5[%get3A_524] {strides = array<i32>} : memref<8192xi32, #tpu.memory_space<vmem>>, vector<16xi32>,
      %add3A_526 = arith.constant 4096 : i32
      %add3A_527 = vector.broadcast %add3A_526 : i32 to vector<16xi32>
      %add3A_528 = arith.addi %get3A_525, %add3A_527 : vector<16xi32>
      %add3A_529 = arith.constant 96 : i32
      %add3A_530 = arith.addi %mul3A_450, %add3A_529 : i32
      %get3A_531 = arith.index_cast %add3A_530 : i32 to index
      %get3A_532 = tpu.vector_load %arg6[%get3A_531] {strides = array<i32>} : memref<8192xf32, #tpu.memory_space<vmem>>, vector<16xf32>,
      tpu.vector_store_idx %arg9[%add3A_528], %get3A_532 : memref<16384xf32, #tpu.memory_space<vmem>>[vector<16xi32>], vector<16xf32>,
      %add3A_533 = arith.constant 112 : i32
      %add3A_534 = arith.addi %mul3A_450, %add3A_533 : i32
      %get3A_535 = arith.index_cast %add3A_534 : i32 to index
      %get3A_536 = tpu.vector_load %arg5[%get3A_535] {strides = array<i32>} : memref<8192xi32, #tpu.memory_space<vmem>>, vector<16xi32>,
      %add3A_537 = arith.constant 4096 : i32
      %add3A_538 = vector.broadcast %add3A_537 : i32 to vector<16xi32>
      %add3A_539 = arith.addi %get3A_536, %add3A_538 : vector<16xi32>
      %add3A_540 = arith.constant 112 : i32
      %add3A_541 = arith.addi %mul3A_450, %add3A_540 : i32
      %get3A_542 = arith.index_cast %add3A_541 : i32 to index
      %get3A_543 = tpu.vector_load %arg6[%get3A_542] {strides = array<i32>} : memref<8192xf32, #tpu.memory_space<vmem>>, vector<16xf32>,
      tpu.vector_store_idx %arg9[%add3A_539], %get3A_543 : memref<16384xf32, #tpu.memory_space<vmem>>[vector<16xi32>], vector<16xf32>,
      %add3A_544 = arith.constant 128 : i32
      %add3A_545 = arith.addi %mul3A_450, %add3A_544 : i32
      %get3A_546 = arith.index_cast %add3A_545 : i32 to index
      %get3A_547 = tpu.vector_load %arg5[%get3A_546] {strides = array<i32>} : memref<8192xi32, #tpu.memory_space<vmem>>, vector<16xi32>,
      %add3A_548 = arith.constant 8192 : i32
      %add3A_549 = vector.broadcast %add3A_548 : i32 to vector<16xi32>
      %add3A_550 = arith.addi %get3A_547, %add3A_549 : vector<16xi32>
      %add3A_551 = arith.constant 128 : i32
      %add3A_552 = arith.addi %mul3A_450, %add3A_551 : i32
      %get3A_553 = arith.index_cast %add3A_552 : i32 to index
      %get3A_554 = tpu.vector_load %arg6[%get3A_553] {strides = array<i32>} : memref<8192xf32, #tpu.memory_space<vmem>>, vector<16xf32>,
      tpu.vector_store_idx %arg9[%add3A_550], %get3A_554 : memref<16384xf32, #tpu.memory_space<vmem>>[vector<16xi32>], vector<16xf32>,
      %add3A_555 = arith.constant 144 : i32
      %add3A_556 = arith.addi %mul3A_450, %add3A_555 : i32
      %get3A_557 = arith.index_cast %add3A_556 : i32 to index
      %get3A_558 = tpu.vector_load %arg5[%get3A_557] {strides = array<i32>} : memref<8192xi32, #tpu.memory_space<vmem>>, vector<16xi32>,
      %add3A_559 = arith.constant 8192 : i32
      %add3A_560 = vector.broadcast %add3A_559 : i32 to vector<16xi32>
      %add3A_561 = arith.addi %get3A_558, %add3A_560 : vector<16xi32>
      %add3A_562 = arith.constant 144 : i32
      %add3A_563 = arith.addi %mul3A_450, %add3A_562 : i32
      %get3A_564 = arith.index_cast %add3A_563 : i32 to index
      %get3A_565 = tpu.vector_load %arg6[%get3A_564] {strides = array<i32>} : memref<8192xf32, #tpu.memory_space<vmem>>, vector<16xf32>,
      tpu.vector_store_idx %arg9[%add3A_561], %get3A_565 : memref<16384xf32, #tpu.memory_space<vmem>>[vector<16xi32>], vector<16xf32>,
      %add3A_566 = arith.constant 160 : i32
      %add3A_567 = arith.addi %mul3A_450, %add3A_566 : i32
      %get3A_568 = arith.index_cast %add3A_567 : i32 to index
      %get3A_569 = tpu.vector_load %arg5[%get3A_568] {strides = array<i32>} : memref<8192xi32, #tpu.memory_space<vmem>>, vector<16xi32>,
      %add3A_570 = arith.constant 8192 : i32
      %add3A_571 = vector.broadcast %add3A_570 : i32 to vector<16xi32>
      %add3A_572 = arith.addi %get3A_569, %add3A_571 : vector<16xi32>
      %add3A_573 = arith.constant 160 : i32
      %add3A_574 = arith.addi %mul3A_450, %add3A_573 : i32
      %get3A_575 = arith.index_cast %add3A_574 : i32 to index
      %get3A_576 = tpu.vector_load %arg6[%get3A_575] {strides = array<i32>} : memref<8192xf32, #tpu.memory_space<vmem>>, vector<16xf32>,
      tpu.vector_store_idx %arg9[%add3A_572], %get3A_576 : memref<16384xf32, #tpu.memory_space<vmem>>[vector<16xi32>], vector<16xf32>,
      %add3A_577 = arith.constant 176 : i32
      %add3A_578 = arith.addi %mul3A_450, %add3A_577 : i32
      %get3A_579 = arith.index_cast %add3A_578 : i32 to index
      %get3A_580 = tpu.vector_load %arg5[%get3A_579] {strides = array<i32>} : memref<8192xi32, #tpu.memory_space<vmem>>, vector<16xi32>,
      %add3A_581 = arith.constant 8192 : i32
      %add3A_582 = vector.broadcast %add3A_581 : i32 to vector<16xi32>
      %add3A_583 = arith.addi %get3A_580, %add3A_582 : vector<16xi32>
      %add3A_584 = arith.constant 176 : i32
      %add3A_585 = arith.addi %mul3A_450, %add3A_584 : i32
      %get3A_586 = arith.index_cast %add3A_585 : i32 to index
      %get3A_587 = tpu.vector_load %arg6[%get3A_586] {strides = array<i32>} : memref<8192xf32, #tpu.memory_space<vmem>>, vector<16xf32>,
      tpu.vector_store_idx %arg9[%add3A_583], %get3A_587 : memref<16384xf32, #tpu.memory_space<vmem>>[vector<16xi32>], vector<16xf32>,
      %add3A_588 = arith.constant 192 : i32
      %add3A_589 = arith.addi %mul3A_450, %add3A_588 : i32
      %get3A_590 = arith.index_cast %add3A_589 : i32 to index
      %get3A_591 = tpu.vector_load %arg5[%get3A_590] {strides = array<i32>} : memref<8192xi32, #tpu.memory_space<vmem>>, vector<16xi32>,
      %add3A_592 = arith.constant 12288 : i32
      %add3A_593 = vector.broadcast %add3A_592 : i32 to vector<16xi32>
      %add3A_594 = arith.addi %get3A_591, %add3A_593 : vector<16xi32>
      %add3A_595 = arith.constant 192 : i32
      %add3A_596 = arith.addi %mul3A_450, %add3A_595 : i32
      %get3A_597 = arith.index_cast %add3A_596 : i32 to index
      %get3A_598 = tpu.vector_load %arg6[%get3A_597] {strides = array<i32>} : memref<8192xf32, #tpu.memory_space<vmem>>, vector<16xf32>,
      tpu.vector_store_idx %arg9[%add3A_594], %get3A_598 : memref<16384xf32, #tpu.memory_space<vmem>>[vector<16xi32>], vector<16xf32>,
      %add3A_599 = arith.constant 208 : i32
      %add3A_600 = arith.addi %mul3A_450, %add3A_599 : i32
      %get3A_601 = arith.index_cast %add3A_600 : i32 to index
      %get3A_602 = tpu.vector_load %arg5[%get3A_601] {strides = array<i32>} : memref<8192xi32, #tpu.memory_space<vmem>>, vector<16xi32>,
      %add3A_603 = arith.constant 12288 : i32
      %add3A_604 = vector.broadcast %add3A_603 : i32 to vector<16xi32>
      %add3A_605 = arith.addi %get3A_602, %add3A_604 : vector<16xi32>
      %add3A_606 = arith.constant 208 : i32
      %add3A_607 = arith.addi %mul3A_450, %add3A_606 : i32
      %get3A_608 = arith.index_cast %add3A_607 : i32 to index
      %get3A_609 = tpu.vector_load %arg6[%get3A_608] {strides = array<i32>} : memref<8192xf32, #tpu.memory_space<vmem>>, vector<16xf32>,
      tpu.vector_store_idx %arg9[%add3A_605], %get3A_609 : memref<16384xf32, #tpu.memory_space<vmem>>[vector<16xi32>], vector<16xf32>,
      %add3A_610 = arith.constant 224 : i32
      %add3A_611 = arith.addi %mul3A_450, %add3A_610 : i32
      %get3A_612 = arith.index_cast %add3A_611 : i32 to index
      %get3A_613 = tpu.vector_load %arg5[%get3A_612] {strides = array<i32>} : memref<8192xi32, #tpu.memory_space<vmem>>, vector<16xi32>,
      %add3A_614 = arith.constant 12288 : i32
      %add3A_615 = vector.broadcast %add3A_614 : i32 to vector<16xi32>
      %add3A_616 = arith.addi %get3A_613, %add3A_615 : vector<16xi32>
      %add3A_617 = arith.constant 224 : i32
      %add3A_618 = arith.addi %mul3A_450, %add3A_617 : i32
      %get3A_619 = arith.index_cast %add3A_618 : i32 to index
      %get3A_620 = tpu.vector_load %arg6[%get3A_619] {strides = array<i32>} : memref<8192xf32, #tpu.memory_space<vmem>>, vector<16xf32>,
      tpu.vector_store_idx %arg9[%add3A_616], %get3A_620 : memref<16384xf32, #tpu.memory_space<vmem>>[vector<16xi32>], vector<16xf32>,
      %add3A_621 = arith.constant 240 : i32
      %add3A_622 = arith.addi %mul3A_450, %add3A_621 : i32
      %get3A_623 = arith.index_cast %add3A_622 : i32 to index
      %get3A_624 = tpu.vector_load %arg5[%get3A_623] {strides = array<i32>} : memref<8192xi32, #tpu.memory_space<vmem>>, vector<16xi32>,
      %add3A_625 = arith.constant 12288 : i32
      %add3A_626 = vector.broadcast %add3A_625 : i32 to vector<16xi32>
      %add3A_627 = arith.addi %get3A_624, %add3A_626 : vector<16xi32>
      %add3A_628 = arith.constant 240 : i32
      %add3A_629 = arith.addi %mul3A_450, %add3A_628 : i32
      %get3A_630 = arith.index_cast %add3A_629 : i32 to index
      %get3A_631 = tpu.vector_load %arg6[%get3A_630] {strides = array<i32>} : memref<8192xf32, #tpu.memory_space<vmem>>, vector<16xf32>,
      tpu.vector_store_idx %arg9[%add3A_627], %get3A_631 : memref<16384xf32, #tpu.memory_space<vmem>>[vector<16xi32>], vector<16xf32>,
      %mul3A_632 = arith.constant 4096 : i32
      %mul3A_633 = arith.muli %add3A_446, %mul3A_632 : i32
      %dma_start3A_634 = tpu.memref_slice %arg4[%mul3A_633] : memref<16777216xf32, #tpu.memory_space<hbm>> -> memref<16384xf32, #tpu.memory_space<hbm>>
      %dma_start3A_635 = tpu.memref_slice %arg4[%mul3A_633] : memref<16777216xf32, #tpu.memory_space<hbm>> -> memref<16384xf32, #tpu.memory_space<hbm>>
      tpu.enqueue_dma source(%arg9 : memref<16384xf32, #tpu.memory_space<vmem>>) target(%dma_start3A_635 : memref<16384xf32, #tpu.memory_space<hbm>>) target_semaphore(%arg13 : memref<!tpu.dma_semaphore, #tpu.memory_space<semaphore_mem>>)
      %mul3A_636 = arith.constant 4 : i32
      %mul3A_637 = arith.muli %mul3A_636, %scan3A_51 : i32
      %add3A_638 = arith.constant 3 : i32
      %add3A_639 = arith.addi %mul3A_637, %add3A_638 : i32
      %mul3A_640 = arith.constant 4 : i32
      %mul3A_641 = arith.muli %add3A_639, %mul3A_640 : i32
      %add3A_642 = arith.addi %mul3A_3, %mul3A_641 : i32
      %mul3A_643 = arith.constant 4 : i32
      %mul3A_644 = arith.muli %add3A_639, %mul3A_643 : i32
      %mul3A_645 = arith.constant 64 : i32
      %mul3A_646 = arith.muli %mul3A_644, %mul3A_645 : i32
      %gt3A_647 = arith.constant 0 : i32
      %gt3A_648 = arith.cmpi sgt, %scan3A_51, %gt3A_647 : i32
      %convert_element_type3A_649 = arith.extui %gt3A_648 : i1 to i32
      %cond3A_650 = arith.constant 0 : i32
      %cond3A_651 = arith.cmpi ne, %convert_element_type3A_649, %cond3A_650 : i32
      scf.if %cond3A_651 {
        %sub3A = arith.constant 16 : i32
        %sub3A_832 = arith.subi %add3A_642, %sub3A : i32
        %mul3A_833 = arith.constant 4096 : i32
        %mul3A_834 = arith.muli %sub3A_832, %mul3A_833 : i32
        %dma_wait3A_835 = tpu.memref_slice %arg4[%mul3A_834] : memref<16777216xf32, #tpu.memory_space<hbm>> -> memref<16384xf32, #tpu.memory_space<hbm>>
        %dma_wait3A_836 = tpu.memref_slice %arg4[%mul3A_834] : memref<16777216xf32, #tpu.memory_space<hbm>> -> memref<16384xf32, #tpu.memory_space<hbm>>
        tpu.wait_dma2 semaphore(%arg14 : memref<!tpu.dma_semaphore, #tpu.memory_space<semaphore_mem>>) src(%arg10 : memref<16384xf32, #tpu.memory_space<vmem>>) dst(%dma_wait3A_836 : memref<16384xf32, #tpu.memory_space<hbm>>)
        %sub3A_837 = arith.constant 1024 : i32
        %sub3A_838 = arith.subi %mul3A_646, %sub3A_837 : i32
        %add3A_839 = arith.constant 0 : i32
        %add3A_840 = arith.addi %sub3A_838, %add3A_839 : i32
        %get3A_841 = arith.index_cast %add3A_840 : i32 to index
        %get3A_842 = tpu.vector_load %arg5[%get3A_841] {strides = array<i32>} : memref<8192xi32, #tpu.memory_space<vmem>>, vector<16xi32>,
        %add3A_843 = arith.constant 0 : i32
        %add3A_844 = vector.broadcast %add3A_843 : i32 to vector<16xi32>
        %add3A_845 = arith.addi %get3A_842, %add3A_844 : vector<16xi32>
        tpu.vector_store_idx %arg10[%add3A_845], %broadcast_in_dim3A_1 : memref<16384xf32, #tpu.memory_space<vmem>>[vector<16xi32>], vector<16xf32>,
        %add3A_846 = arith.constant 16 : i32
        %add3A_847 = arith.addi %sub3A_838, %add3A_846 : i32
        %get3A_848 = arith.index_cast %add3A_847 : i32 to index
        %get3A_849 = tpu.vector_load %arg5[%get3A_848] {strides = array<i32>} : memref<8192xi32, #tpu.memory_space<vmem>>, vector<16xi32>,
        %add3A_850 = arith.constant 0 : i32
        %add3A_851 = vector.broadcast %add3A_850 : i32 to vector<16xi32>
        %add3A_852 = arith.addi %get3A_849, %add3A_851 : vector<16xi32>
        tpu.vector_store_idx %arg10[%add3A_852], %broadcast_in_dim3A_1 : memref<16384xf32, #tpu.memory_space<vmem>>[vector<16xi32>], vector<16xf32>,
        %add3A_853 = arith.constant 32 : i32
        %add3A_854 = arith.addi %sub3A_838, %add3A_853 : i32
        %get3A_855 = arith.index_cast %add3A_854 : i32 to index
        %get3A_856 = tpu.vector_load %arg5[%get3A_855] {strides = array<i32>} : memref<8192xi32, #tpu.memory_space<vmem>>, vector<16xi32>,
        %add3A_857 = arith.constant 0 : i32
        %add3A_858 = vector.broadcast %add3A_857 : i32 to vector<16xi32>
        %add3A_859 = arith.addi %get3A_856, %add3A_858 : vector<16xi32>
        tpu.vector_store_idx %arg10[%add3A_859], %broadcast_in_dim3A_1 : memref<16384xf32, #tpu.memory_space<vmem>>[vector<16xi32>], vector<16xf32>,
        %add3A_860 = arith.constant 48 : i32
        %add3A_861 = arith.addi %sub3A_838, %add3A_860 : i32
        %get3A_862 = arith.index_cast %add3A_861 : i32 to index
        %get3A_863 = tpu.vector_load %arg5[%get3A_862] {strides = array<i32>} : memref<8192xi32, #tpu.memory_space<vmem>>, vector<16xi32>,
        %add3A_864 = arith.constant 0 : i32
        %add3A_865 = vector.broadcast %add3A_864 : i32 to vector<16xi32>
        %add3A_866 = arith.addi %get3A_863, %add3A_865 : vector<16xi32>
        tpu.vector_store_idx %arg10[%add3A_866], %broadcast_in_dim3A_1 : memref<16384xf32, #tpu.memory_space<vmem>>[vector<16xi32>], vector<16xf32>,
        %add3A_867 = arith.constant 64 : i32
        %add3A_868 = arith.addi %sub3A_838, %add3A_867 : i32
        %get3A_869 = arith.index_cast %add3A_868 : i32 to index
        %get3A_870 = tpu.vector_load %arg5[%get3A_869] {strides = array<i32>} : memref<8192xi32, #tpu.memory_space<vmem>>, vector<16xi32>,
        %add3A_871 = arith.constant 4096 : i32
        %add3A_872 = vector.broadcast %add3A_871 : i32 to vector<16xi32>
        %add3A_873 = arith.addi %get3A_870, %add3A_872 : vector<16xi32>
        tpu.vector_store_idx %arg10[%add3A_873], %broadcast_in_dim3A_1 : memref<16384xf32, #tpu.memory_space<vmem>>[vector<16xi32>], vector<16xf32>,
        %add3A_874 = arith.constant 80 : i32
        %add3A_875 = arith.addi %sub3A_838, %add3A_874 : i32
        %get3A_876 = arith.index_cast %add3A_875 : i32 to index
        %get3A_877 = tpu.vector_load %arg5[%get3A_876] {strides = array<i32>} : memref<8192xi32, #tpu.memory_space<vmem>>, vector<16xi32>,
        %add3A_878 = arith.constant 4096 : i32
        %add3A_879 = vector.broadcast %add3A_878 : i32 to vector<16xi32>
        %add3A_880 = arith.addi %get3A_877, %add3A_879 : vector<16xi32>
        tpu.vector_store_idx %arg10[%add3A_880], %broadcast_in_dim3A_1 : memref<16384xf32, #tpu.memory_space<vmem>>[vector<16xi32>], vector<16xf32>,
        %add3A_881 = arith.constant 96 : i32
        %add3A_882 = arith.addi %sub3A_838, %add3A_881 : i32
        %get3A_883 = arith.index_cast %add3A_882 : i32 to index
        %get3A_884 = tpu.vector_load %arg5[%get3A_883] {strides = array<i32>} : memref<8192xi32, #tpu.memory_space<vmem>>, vector<16xi32>,
        %add3A_885 = arith.constant 4096 : i32
        %add3A_886 = vector.broadcast %add3A_885 : i32 to vector<16xi32>
        %add3A_887 = arith.addi %get3A_884, %add3A_886 : vector<16xi32>
        tpu.vector_store_idx %arg10[%add3A_887], %broadcast_in_dim3A_1 : memref<16384xf32, #tpu.memory_space<vmem>>[vector<16xi32>], vector<16xf32>,
        %add3A_888 = arith.constant 112 : i32
        %add3A_889 = arith.addi %sub3A_838, %add3A_888 : i32
        %get3A_890 = arith.index_cast %add3A_889 : i32 to index
        %get3A_891 = tpu.vector_load %arg5[%get3A_890] {strides = array<i32>} : memref<8192xi32, #tpu.memory_space<vmem>>, vector<16xi32>,
        %add3A_892 = arith.constant 4096 : i32
        %add3A_893 = vector.broadcast %add3A_892 : i32 to vector<16xi32>
        %add3A_894 = arith.addi %get3A_891, %add3A_893 : vector<16xi32>
        tpu.vector_store_idx %arg10[%add3A_894], %broadcast_in_dim3A_1 : memref<16384xf32, #tpu.memory_space<vmem>>[vector<16xi32>], vector<16xf32>,
        %add3A_895 = arith.constant 128 : i32
        %add3A_896 = arith.addi %sub3A_838, %add3A_895 : i32
        %get3A_897 = arith.index_cast %add3A_896 : i32 to index
        %get3A_898 = tpu.vector_load %arg5[%get3A_897] {strides = array<i32>} : memref<8192xi32, #tpu.memory_space<vmem>>, vector<16xi32>,
        %add3A_899 = arith.constant 8192 : i32
        %add3A_900 = vector.broadcast %add3A_899 : i32 to vector<16xi32>
        %add3A_901 = arith.addi %get3A_898, %add3A_900 : vector<16xi32>
        tpu.vector_store_idx %arg10[%add3A_901], %broadcast_in_dim3A_1 : memref<16384xf32, #tpu.memory_space<vmem>>[vector<16xi32>], vector<16xf32>,
        %add3A_902 = arith.constant 144 : i32
        %add3A_903 = arith.addi %sub3A_838, %add3A_902 : i32
        %get3A_904 = arith.index_cast %add3A_903 : i32 to index
        %get3A_905 = tpu.vector_load %arg5[%get3A_904] {strides = array<i32>} : memref<8192xi32, #tpu.memory_space<vmem>>, vector<16xi32>,
        %add3A_906 = arith.constant 8192 : i32
        %add3A_907 = vector.broadcast %add3A_906 : i32 to vector<16xi32>
        %add3A_908 = arith.addi %get3A_905, %add3A_907 : vector<16xi32>
        tpu.vector_store_idx %arg10[%add3A_908], %broadcast_in_dim3A_1 : memref<16384xf32, #tpu.memory_space<vmem>>[vector<16xi32>], vector<16xf32>,
        %add3A_909 = arith.constant 160 : i32
        %add3A_910 = arith.addi %sub3A_838, %add3A_909 : i32
        %get3A_911 = arith.index_cast %add3A_910 : i32 to index
        %get3A_912 = tpu.vector_load %arg5[%get3A_911] {strides = array<i32>} : memref<8192xi32, #tpu.memory_space<vmem>>, vector<16xi32>,
        %add3A_913 = arith.constant 8192 : i32
        %add3A_914 = vector.broadcast %add3A_913 : i32 to vector<16xi32>
        %add3A_915 = arith.addi %get3A_912, %add3A_914 : vector<16xi32>
        tpu.vector_store_idx %arg10[%add3A_915], %broadcast_in_dim3A_1 : memref<16384xf32, #tpu.memory_space<vmem>>[vector<16xi32>], vector<16xf32>,
        %add3A_916 = arith.constant 176 : i32
        %add3A_917 = arith.addi %sub3A_838, %add3A_916 : i32
        %get3A_918 = arith.index_cast %add3A_917 : i32 to index
        %get3A_919 = tpu.vector_load %arg5[%get3A_918] {strides = array<i32>} : memref<8192xi32, #tpu.memory_space<vmem>>, vector<16xi32>,
        %add3A_920 = arith.constant 8192 : i32
        %add3A_921 = vector.broadcast %add3A_920 : i32 to vector<16xi32>
        %add3A_922 = arith.addi %get3A_919, %add3A_921 : vector<16xi32>
        tpu.vector_store_idx %arg10[%add3A_922], %broadcast_in_dim3A_1 : memref<16384xf32, #tpu.memory_space<vmem>>[vector<16xi32>], vector<16xf32>,
        %add3A_923 = arith.constant 192 : i32
        %add3A_924 = arith.addi %sub3A_838, %add3A_923 : i32
        %get3A_925 = arith.index_cast %add3A_924 : i32 to index
        %get3A_926 = tpu.vector_load %arg5[%get3A_925] {strides = array<i32>} : memref<8192xi32, #tpu.memory_space<vmem>>, vector<16xi32>,
        %add3A_927 = arith.constant 12288 : i32
        %add3A_928 = vector.broadcast %add3A_927 : i32 to vector<16xi32>
        %add3A_929 = arith.addi %get3A_926, %add3A_928 : vector<16xi32>
        tpu.vector_store_idx %arg10[%add3A_929], %broadcast_in_dim3A_1 : memref<16384xf32, #tpu.memory_space<vmem>>[vector<16xi32>], vector<16xf32>,
        %add3A_930 = arith.constant 208 : i32
        %add3A_931 = arith.addi %sub3A_838, %add3A_930 : i32
        %get3A_932 = arith.index_cast %add3A_931 : i32 to index
        %get3A_933 = tpu.vector_load %arg5[%get3A_932] {strides = array<i32>} : memref<8192xi32, #tpu.memory_space<vmem>>, vector<16xi32>,
        %add3A_934 = arith.constant 12288 : i32
        %add3A_935 = vector.broadcast %add3A_934 : i32 to vector<16xi32>
        %add3A_936 = arith.addi %get3A_933, %add3A_935 : vector<16xi32>
        tpu.vector_store_idx %arg10[%add3A_936], %broadcast_in_dim3A_1 : memref<16384xf32, #tpu.memory_space<vmem>>[vector<16xi32>], vector<16xf32>,
        %add3A_937 = arith.constant 224 : i32
        %add3A_938 = arith.addi %sub3A_838, %add3A_937 : i32
        %get3A_939 = arith.index_cast %add3A_938 : i32 to index
        %get3A_940 = tpu.vector_load %arg5[%get3A_939] {strides = array<i32>} : memref<8192xi32, #tpu.memory_space<vmem>>, vector<16xi32>,
        %add3A_941 = arith.constant 12288 : i32
        %add3A_942 = vector.broadcast %add3A_941 : i32 to vector<16xi32>
        %add3A_943 = arith.addi %get3A_940, %add3A_942 : vector<16xi32>
        tpu.vector_store_idx %arg10[%add3A_943], %broadcast_in_dim3A_1 : memref<16384xf32, #tpu.memory_space<vmem>>[vector<16xi32>], vector<16xf32>,
        %add3A_944 = arith.constant 240 : i32
        %add3A_945 = arith.addi %sub3A_838, %add3A_944 : i32
        %get3A_946 = arith.index_cast %add3A_945 : i32 to index
        %get3A_947 = tpu.vector_load %arg5[%get3A_946] {strides = array<i32>} : memref<8192xi32, #tpu.memory_space<vmem>>, vector<16xi32>,
        %add3A_948 = arith.constant 12288 : i32
        %add3A_949 = vector.broadcast %add3A_948 : i32 to vector<16xi32>
        %add3A_950 = arith.addi %get3A_947, %add3A_949 : vector<16xi32>
        tpu.vector_store_idx %arg10[%add3A_950], %broadcast_in_dim3A_1 : memref<16384xf32, #tpu.memory_space<vmem>>[vector<16xi32>], vector<16xf32>,
      } else {
      }
      %add3A_652 = arith.constant 0 : i32
      %add3A_653 = arith.addi %mul3A_646, %add3A_652 : i32
      %get3A_654 = arith.index_cast %add3A_653 : i32 to index
      %get3A_655 = tpu.vector_load %arg5[%get3A_654] {strides = array<i32>} : memref<8192xi32, #tpu.memory_space<vmem>>, vector<16xi32>,
      %add3A_656 = arith.constant 0 : i32
      %add3A_657 = vector.broadcast %add3A_656 : i32 to vector<16xi32>
      %add3A_658 = arith.addi %get3A_655, %add3A_657 : vector<16xi32>
      %add3A_659 = arith.constant 0 : i32
      %add3A_660 = arith.addi %mul3A_646, %add3A_659 : i32
      %get3A_661 = arith.index_cast %add3A_660 : i32 to index
      %get3A_662 = tpu.vector_load %arg6[%get3A_661] {strides = array<i32>} : memref<8192xf32, #tpu.memory_space<vmem>>, vector<16xf32>,
      tpu.vector_store_idx %arg10[%add3A_658], %get3A_662 : memref<16384xf32, #tpu.memory_space<vmem>>[vector<16xi32>], vector<16xf32>,
      %add3A_663 = arith.constant 16 : i32
      %add3A_664 = arith.addi %mul3A_646, %add3A_663 : i32
      %get3A_665 = arith.index_cast %add3A_664 : i32 to index
      %get3A_666 = tpu.vector_load %arg5[%get3A_665] {strides = array<i32>} : memref<8192xi32, #tpu.memory_space<vmem>>, vector<16xi32>,
      %add3A_667 = arith.constant 0 : i32
      %add3A_668 = vector.broadcast %add3A_667 : i32 to vector<16xi32>
      %add3A_669 = arith.addi %get3A_666, %add3A_668 : vector<16xi32>
      %add3A_670 = arith.constant 16 : i32
      %add3A_671 = arith.addi %mul3A_646, %add3A_670 : i32
      %get3A_672 = arith.index_cast %add3A_671 : i32 to index
      %get3A_673 = tpu.vector_load %arg6[%get3A_672] {strides = array<i32>} : memref<8192xf32, #tpu.memory_space<vmem>>, vector<16xf32>,
      tpu.vector_store_idx %arg10[%add3A_669], %get3A_673 : memref<16384xf32, #tpu.memory_space<vmem>>[vector<16xi32>], vector<16xf32>,
      %add3A_674 = arith.constant 32 : i32
      %add3A_675 = arith.addi %mul3A_646, %add3A_674 : i32
      %get3A_676 = arith.index_cast %add3A_675 : i32 to index
      %get3A_677 = tpu.vector_load %arg5[%get3A_676] {strides = array<i32>} : memref<8192xi32, #tpu.memory_space<vmem>>, vector<16xi32>,
      %add3A_678 = arith.constant 0 : i32
      %add3A_679 = vector.broadcast %add3A_678 : i32 to vector<16xi32>
      %add3A_680 = arith.addi %get3A_677, %add3A_679 : vector<16xi32>
      %add3A_681 = arith.constant 32 : i32
      %add3A_682 = arith.addi %mul3A_646, %add3A_681 : i32
      %get3A_683 = arith.index_cast %add3A_682 : i32 to index
      %get3A_684 = tpu.vector_load %arg6[%get3A_683] {strides = array<i32>} : memref<8192xf32, #tpu.memory_space<vmem>>, vector<16xf32>,
      tpu.vector_store_idx %arg10[%add3A_680], %get3A_684 : memref<16384xf32, #tpu.memory_space<vmem>>[vector<16xi32>], vector<16xf32>,
      %add3A_685 = arith.constant 48 : i32
      %add3A_686 = arith.addi %mul3A_646, %add3A_685 : i32
      %get3A_687 = arith.index_cast %add3A_686 : i32 to index
      %get3A_688 = tpu.vector_load %arg5[%get3A_687] {strides = array<i32>} : memref<8192xi32, #tpu.memory_space<vmem>>, vector<16xi32>,
      %add3A_689 = arith.constant 0 : i32
      %add3A_690 = vector.broadcast %add3A_689 : i32 to vector<16xi32>
      %add3A_691 = arith.addi %get3A_688, %add3A_690 : vector<16xi32>
      %add3A_692 = arith.constant 48 : i32
      %add3A_693 = arith.addi %mul3A_646, %add3A_692 : i32
      %get3A_694 = arith.index_cast %add3A_693 : i32 to index
      %get3A_695 = tpu.vector_load %arg6[%get3A_694] {strides = array<i32>} : memref<8192xf32, #tpu.memory_space<vmem>>, vector<16xf32>,
      tpu.vector_store_idx %arg10[%add3A_691], %get3A_695 : memref<16384xf32, #tpu.memory_space<vmem>>[vector<16xi32>], vector<16xf32>,
      %add3A_696 = arith.constant 64 : i32
      %add3A_697 = arith.addi %mul3A_646, %add3A_696 : i32
      %get3A_698 = arith.index_cast %add3A_697 : i32 to index
      %get3A_699 = tpu.vector_load %arg5[%get3A_698] {strides = array<i32>} : memref<8192xi32, #tpu.memory_space<vmem>>, vector<16xi32>,
      %add3A_700 = arith.constant 4096 : i32
      %add3A_701 = vector.broadcast %add3A_700 : i32 to vector<16xi32>
      %add3A_702 = arith.addi %get3A_699, %add3A_701 : vector<16xi32>
      %add3A_703 = arith.constant 64 : i32
      %add3A_704 = arith.addi %mul3A_646, %add3A_703 : i32
      %get3A_705 = arith.index_cast %add3A_704 : i32 to index
      %get3A_706 = tpu.vector_load %arg6[%get3A_705] {strides = array<i32>} : memref<8192xf32, #tpu.memory_space<vmem>>, vector<16xf32>,
      tpu.vector_store_idx %arg10[%add3A_702], %get3A_706 : memref<16384xf32, #tpu.memory_space<vmem>>[vector<16xi32>], vector<16xf32>,
      %add3A_707 = arith.constant 80 : i32
      %add3A_708 = arith.addi %mul3A_646, %add3A_707 : i32
      %get3A_709 = arith.index_cast %add3A_708 : i32 to index
      %get3A_710 = tpu.vector_load %arg5[%get3A_709] {strides = array<i32>} : memref<8192xi32, #tpu.memory_space<vmem>>, vector<16xi32>,
      %add3A_711 = arith.constant 4096 : i32
      %add3A_712 = vector.broadcast %add3A_711 : i32 to vector<16xi32>
      %add3A_713 = arith.addi %get3A_710, %add3A_712 : vector<16xi32>
      %add3A_714 = arith.constant 80 : i32
      %add3A_715 = arith.addi %mul3A_646, %add3A_714 : i32
      %get3A_716 = arith.index_cast %add3A_715 : i32 to index
      %get3A_717 = tpu.vector_load %arg6[%get3A_716] {strides = array<i32>} : memref<8192xf32, #tpu.memory_space<vmem>>, vector<16xf32>,
      tpu.vector_store_idx %arg10[%add3A_713], %get3A_717 : memref<16384xf32, #tpu.memory_space<vmem>>[vector<16xi32>], vector<16xf32>,
      %add3A_718 = arith.constant 96 : i32
      %add3A_719 = arith.addi %mul3A_646, %add3A_718 : i32
      %get3A_720 = arith.index_cast %add3A_719 : i32 to index
      %get3A_721 = tpu.vector_load %arg5[%get3A_720] {strides = array<i32>} : memref<8192xi32, #tpu.memory_space<vmem>>, vector<16xi32>,
      %add3A_722 = arith.constant 4096 : i32
      %add3A_723 = vector.broadcast %add3A_722 : i32 to vector<16xi32>
      %add3A_724 = arith.addi %get3A_721, %add3A_723 : vector<16xi32>
      %add3A_725 = arith.constant 96 : i32
      %add3A_726 = arith.addi %mul3A_646, %add3A_725 : i32
      %get3A_727 = arith.index_cast %add3A_726 : i32 to index
      %get3A_728 = tpu.vector_load %arg6[%get3A_727] {strides = array<i32>} : memref<8192xf32, #tpu.memory_space<vmem>>, vector<16xf32>,
      tpu.vector_store_idx %arg10[%add3A_724], %get3A_728 : memref<16384xf32, #tpu.memory_space<vmem>>[vector<16xi32>], vector<16xf32>,
      %add3A_729 = arith.constant 112 : i32
      %add3A_730 = arith.addi %mul3A_646, %add3A_729 : i32
      %get3A_731 = arith.index_cast %add3A_730 : i32 to index
      %get3A_732 = tpu.vector_load %arg5[%get3A_731] {strides = array<i32>} : memref<8192xi32, #tpu.memory_space<vmem>>, vector<16xi32>,
      %add3A_733 = arith.constant 4096 : i32
      %add3A_734 = vector.broadcast %add3A_733 : i32 to vector<16xi32>
      %add3A_735 = arith.addi %get3A_732, %add3A_734 : vector<16xi32>
      %add3A_736 = arith.constant 112 : i32
      %add3A_737 = arith.addi %mul3A_646, %add3A_736 : i32
      %get3A_738 = arith.index_cast %add3A_737 : i32 to index
      %get3A_739 = tpu.vector_load %arg6[%get3A_738] {strides = array<i32>} : memref<8192xf32, #tpu.memory_space<vmem>>, vector<16xf32>,
      tpu.vector_store_idx %arg10[%add3A_735], %get3A_739 : memref<16384xf32, #tpu.memory_space<vmem>>[vector<16xi32>], vector<16xf32>,
      %add3A_740 = arith.constant 128 : i32
      %add3A_741 = arith.addi %mul3A_646, %add3A_740 : i32
      %get3A_742 = arith.index_cast %add3A_741 : i32 to index
      %get3A_743 = tpu.vector_load %arg5[%get3A_742] {strides = array<i32>} : memref<8192xi32, #tpu.memory_space<vmem>>, vector<16xi32>,
      %add3A_744 = arith.constant 8192 : i32
      %add3A_745 = vector.broadcast %add3A_744 : i32 to vector<16xi32>
      %add3A_746 = arith.addi %get3A_743, %add3A_745 : vector<16xi32>
      %add3A_747 = arith.constant 128 : i32
      %add3A_748 = arith.addi %mul3A_646, %add3A_747 : i32
      %get3A_749 = arith.index_cast %add3A_748 : i32 to index
      %get3A_750 = tpu.vector_load %arg6[%get3A_749] {strides = array<i32>} : memref<8192xf32, #tpu.memory_space<vmem>>, vector<16xf32>,
      tpu.vector_store_idx %arg10[%add3A_746], %get3A_750 : memref<16384xf32, #tpu.memory_space<vmem>>[vector<16xi32>], vector<16xf32>,
      %add3A_751 = arith.constant 144 : i32
      %add3A_752 = arith.addi %mul3A_646, %add3A_751 : i32
      %get3A_753 = arith.index_cast %add3A_752 : i32 to index
      %get3A_754 = tpu.vector_load %arg5[%get3A_753] {strides = array<i32>} : memref<8192xi32, #tpu.memory_space<vmem>>, vector<16xi32>,
      %add3A_755 = arith.constant 8192 : i32
      %add3A_756 = vector.broadcast %add3A_755 : i32 to vector<16xi32>
      %add3A_757 = arith.addi %get3A_754, %add3A_756 : vector<16xi32>
      %add3A_758 = arith.constant 144 : i32
      %add3A_759 = arith.addi %mul3A_646, %add3A_758 : i32
      %get3A_760 = arith.index_cast %add3A_759 : i32 to index
      %get3A_761 = tpu.vector_load %arg6[%get3A_760] {strides = array<i32>} : memref<8192xf32, #tpu.memory_space<vmem>>, vector<16xf32>,
      tpu.vector_store_idx %arg10[%add3A_757], %get3A_761 : memref<16384xf32, #tpu.memory_space<vmem>>[vector<16xi32>], vector<16xf32>,
      %add3A_762 = arith.constant 160 : i32
      %add3A_763 = arith.addi %mul3A_646, %add3A_762 : i32
      %get3A_764 = arith.index_cast %add3A_763 : i32 to index
      %get3A_765 = tpu.vector_load %arg5[%get3A_764] {strides = array<i32>} : memref<8192xi32, #tpu.memory_space<vmem>>, vector<16xi32>,
      %add3A_766 = arith.constant 8192 : i32
      %add3A_767 = vector.broadcast %add3A_766 : i32 to vector<16xi32>
      %add3A_768 = arith.addi %get3A_765, %add3A_767 : vector<16xi32>
      %add3A_769 = arith.constant 160 : i32
      %add3A_770 = arith.addi %mul3A_646, %add3A_769 : i32
      %get3A_771 = arith.index_cast %add3A_770 : i32 to index
      %get3A_772 = tpu.vector_load %arg6[%get3A_771] {strides = array<i32>} : memref<8192xf32, #tpu.memory_space<vmem>>, vector<16xf32>,
      tpu.vector_store_idx %arg10[%add3A_768], %get3A_772 : memref<16384xf32, #tpu.memory_space<vmem>>[vector<16xi32>], vector<16xf32>,
      %add3A_773 = arith.constant 176 : i32
      %add3A_774 = arith.addi %mul3A_646, %add3A_773 : i32
      %get3A_775 = arith.index_cast %add3A_774 : i32 to index
      %get3A_776 = tpu.vector_load %arg5[%get3A_775] {strides = array<i32>} : memref<8192xi32, #tpu.memory_space<vmem>>, vector<16xi32>,
      %add3A_777 = arith.constant 8192 : i32
      %add3A_778 = vector.broadcast %add3A_777 : i32 to vector<16xi32>
      %add3A_779 = arith.addi %get3A_776, %add3A_778 : vector<16xi32>
      %add3A_780 = arith.constant 176 : i32
      %add3A_781 = arith.addi %mul3A_646, %add3A_780 : i32
      %get3A_782 = arith.index_cast %add3A_781 : i32 to index
      %get3A_783 = tpu.vector_load %arg6[%get3A_782] {strides = array<i32>} : memref<8192xf32, #tpu.memory_space<vmem>>, vector<16xf32>,
      tpu.vector_store_idx %arg10[%add3A_779], %get3A_783 : memref<16384xf32, #tpu.memory_space<vmem>>[vector<16xi32>], vector<16xf32>,
      %add3A_784 = arith.constant 192 : i32
      %add3A_785 = arith.addi %mul3A_646, %add3A_784 : i32
      %get3A_786 = arith.index_cast %add3A_785 : i32 to index
      %get3A_787 = tpu.vector_load %arg5[%get3A_786] {strides = array<i32>} : memref<8192xi32, #tpu.memory_space<vmem>>, vector<16xi32>,
      %add3A_788 = arith.constant 12288 : i32
      %add3A_789 = vector.broadcast %add3A_788 : i32 to vector<16xi32>
      %add3A_790 = arith.addi %get3A_787, %add3A_789 : vector<16xi32>
      %add3A_791 = arith.constant 192 : i32
      %add3A_792 = arith.addi %mul3A_646, %add3A_791 : i32
      %get3A_793 = arith.index_cast %add3A_792 : i32 to index
      %get3A_794 = tpu.vector_load %arg6[%get3A_793] {strides = array<i32>} : memref<8192xf32, #tpu.memory_space<vmem>>, vector<16xf32>,
      tpu.vector_store_idx %arg10[%add3A_790], %get3A_794 : memref<16384xf32, #tpu.memory_space<vmem>>[vector<16xi32>], vector<16xf32>,
      %add3A_795 = arith.constant 208 : i32
      %add3A_796 = arith.addi %mul3A_646, %add3A_795 : i32
      %get3A_797 = arith.index_cast %add3A_796 : i32 to index
      %get3A_798 = tpu.vector_load %arg5[%get3A_797] {strides = array<i32>} : memref<8192xi32, #tpu.memory_space<vmem>>, vector<16xi32>,
      %add3A_799 = arith.constant 12288 : i32
      %add3A_800 = vector.broadcast %add3A_799 : i32 to vector<16xi32>
      %add3A_801 = arith.addi %get3A_798, %add3A_800 : vector<16xi32>
      %add3A_802 = arith.constant 208 : i32
      %add3A_803 = arith.addi %mul3A_646, %add3A_802 : i32
      %get3A_804 = arith.index_cast %add3A_803 : i32 to index
      %get3A_805 = tpu.vector_load %arg6[%get3A_804] {strides = array<i32>} : memref<8192xf32, #tpu.memory_space<vmem>>, vector<16xf32>,
      tpu.vector_store_idx %arg10[%add3A_801], %get3A_805 : memref<16384xf32, #tpu.memory_space<vmem>>[vector<16xi32>], vector<16xf32>,
      %add3A_806 = arith.constant 224 : i32
      %add3A_807 = arith.addi %mul3A_646, %add3A_806 : i32
      %get3A_808 = arith.index_cast %add3A_807 : i32 to index
      %get3A_809 = tpu.vector_load %arg5[%get3A_808] {strides = array<i32>} : memref<8192xi32, #tpu.memory_space<vmem>>, vector<16xi32>,
      %add3A_810 = arith.constant 12288 : i32
      %add3A_811 = vector.broadcast %add3A_810 : i32 to vector<16xi32>
      %add3A_812 = arith.addi %get3A_809, %add3A_811 : vector<16xi32>
      %add3A_813 = arith.constant 224 : i32
      %add3A_814 = arith.addi %mul3A_646, %add3A_813 : i32
      %get3A_815 = arith.index_cast %add3A_814 : i32 to index
      %get3A_816 = tpu.vector_load %arg6[%get3A_815] {strides = array<i32>} : memref<8192xf32, #tpu.memory_space<vmem>>, vector<16xf32>,
      tpu.vector_store_idx %arg10[%add3A_812], %get3A_816 : memref<16384xf32, #tpu.memory_space<vmem>>[vector<16xi32>], vector<16xf32>,
      %add3A_817 = arith.constant 240 : i32
      %add3A_818 = arith.addi %mul3A_646, %add3A_817 : i32
      %get3A_819 = arith.index_cast %add3A_818 : i32 to index
      %get3A_820 = tpu.vector_load %arg5[%get3A_819] {strides = array<i32>} : memref<8192xi32, #tpu.memory_space<vmem>>, vector<16xi32>,
      %add3A_821 = arith.constant 12288 : i32
      %add3A_822 = vector.broadcast %add3A_821 : i32 to vector<16xi32>
      %add3A_823 = arith.addi %get3A_820, %add3A_822 : vector<16xi32>
      %add3A_824 = arith.constant 240 : i32
      %add3A_825 = arith.addi %mul3A_646, %add3A_824 : i32
      %get3A_826 = arith.index_cast %add3A_825 : i32 to index
      %get3A_827 = tpu.vector_load %arg6[%get3A_826] {strides = array<i32>} : memref<8192xf32, #tpu.memory_space<vmem>>, vector<16xf32>,
      tpu.vector_store_idx %arg10[%add3A_823], %get3A_827 : memref<16384xf32, #tpu.memory_space<vmem>>[vector<16xi32>], vector<16xf32>,
      %mul3A_828 = arith.constant 4096 : i32
      %mul3A_829 = arith.muli %add3A_642, %mul3A_828 : i32
      %dma_start3A_830 = tpu.memref_slice %arg4[%mul3A_829] : memref<16777216xf32, #tpu.memory_space<hbm>> -> memref<16384xf32, #tpu.memory_space<hbm>>
      %dma_start3A_831 = tpu.memref_slice %arg4[%mul3A_829] : memref<16777216xf32, #tpu.memory_space<hbm>> -> memref<16384xf32, #tpu.memory_space<hbm>>
      tpu.enqueue_dma source(%arg10 : memref<16384xf32, #tpu.memory_space<vmem>>) target(%dma_start3A_831 : memref<16384xf32, #tpu.memory_space<hbm>>) target_semaphore(%arg14 : memref<!tpu.dma_semaphore, #tpu.memory_space<semaphore_mem>>)
    }
    %scan3A_26 = arith.constant 8 : i32
    %add3A_27 = arith.constant 112 : i32
    %add3A_28 = arith.addi %mul3A_3, %add3A_27 : i32
    %mul3A_29 = arith.constant 4096 : i32
    %mul3A_30 = arith.muli %add3A_28, %mul3A_29 : i32
    %dma_wait3A_31 = tpu.memref_slice %arg4[%mul3A_30] : memref<16777216xf32, #tpu.memory_space<hbm>> -> memref<16384xf32, #tpu.memory_space<hbm>>
    %dma_wait3A_32 = tpu.memref_slice %arg4[%mul3A_30] : memref<16777216xf32, #tpu.memory_space<hbm>> -> memref<16384xf32, #tpu.memory_space<hbm>>
    tpu.wait_dma2 semaphore(%arg11 : memref<!tpu.dma_semaphore, #tpu.memory_space<semaphore_mem>>) src(%arg7 : memref<16384xf32, #tpu.memory_space<vmem>>) dst(%dma_wait3A_32 : memref<16384xf32, #tpu.memory_space<hbm>>)
    %add3A_33 = arith.constant 116 : i32
    %add3A_34 = arith.addi %mul3A_3, %add3A_33 : i32
    %mul3A_35 = arith.constant 4096 : i32
    %mul3A_36 = arith.muli %add3A_34, %mul3A_35 : i32
    %dma_wait3A_37 = tpu.memref_slice %arg4[%mul3A_36] : memref<16777216xf32, #tpu.memory_space<hbm>> -> memref<16384xf32, #tpu.memory_space<hbm>>
    %dma_wait3A_38 = tpu.memref_slice %arg4[%mul3A_36] : memref<16777216xf32, #tpu.memory_space<hbm>> -> memref<16384xf32, #tpu.memory_space<hbm>>
    tpu.wait_dma2 semaphore(%arg12 : memref<!tpu.dma_semaphore, #tpu.memory_space<semaphore_mem>>) src(%arg8 : memref<16384xf32, #tpu.memory_space<vmem>>) dst(%dma_wait3A_38 : memref<16384xf32, #tpu.memory_space<hbm>>)
    %add3A_39 = arith.constant 120 : i32
    %add3A_40 = arith.addi %mul3A_3, %add3A_39 : i32
    %mul3A_41 = arith.constant 4096 : i32
    %mul3A_42 = arith.muli %add3A_40, %mul3A_41 : i32
    %dma_wait3A_43 = tpu.memref_slice %arg4[%mul3A_42] : memref<16777216xf32, #tpu.memory_space<hbm>> -> memref<16384xf32, #tpu.memory_space<hbm>>
    %dma_wait3A_44 = tpu.memref_slice %arg4[%mul3A_42] : memref<16777216xf32, #tpu.memory_space<hbm>> -> memref<16384xf32, #tpu.memory_space<hbm>>
    tpu.wait_dma2 semaphore(%arg13 : memref<!tpu.dma_semaphore, #tpu.memory_space<semaphore_mem>>) src(%arg9 : memref<16384xf32, #tpu.memory_space<vmem>>) dst(%dma_wait3A_44 : memref<16384xf32, #tpu.memory_space<hbm>>)
    %add3A_45 = arith.constant 124 : i32
    %add3A_46 = arith.addi %mul3A_3, %add3A_45 : i32
    %mul3A_47 = arith.constant 4096 : i32
    %mul3A_48 = arith.muli %add3A_46, %mul3A_47 : i32
    %dma_wait3A_49 = tpu.memref_slice %arg4[%mul3A_48] : memref<16777216xf32, #tpu.memory_space<hbm>> -> memref<16384xf32, #tpu.memory_space<hbm>>
    %dma_wait3A_50 = tpu.memref_slice %arg4[%mul3A_48] : memref<16777216xf32, #tpu.memory_space<hbm>> -> memref<16384xf32, #tpu.memory_space<hbm>>
    tpu.wait_dma2 semaphore(%arg14 : memref<!tpu.dma_semaphore, #tpu.memory_space<semaphore_mem>>) src(%arg10 : memref<16384xf32, #tpu.memory_space<vmem>>) dst(%dma_wait3A_50 : memref<16384xf32, #tpu.memory_space<hbm>>)
    return
  }
}

</mosaic_0001>

<sc_bundles>
// kernel: kernel.3.cloned.1.call-start
scs
__scs_entry_jumppad:
0x0: {  	(pc) =	sbr.rel $0x88, $3  }
0x1: {  	(tag) =	ssettag $0x0;
	lr =	simm.s32 $0x1  }
0x2: {  	[smem:$0x3F9F] =	sst lr;
	_ =	strace $0xD0000000  }
0x3: {  	_ = 	snop  }
0x4: {  	_ = 	snop  }
0x5: {  	_ = 	snop  }
0x6: {  	_ = 	snop  }
0x7: {  	_ = 	snop  }
__scs_overlays_trampoline_lowered:
0x8: {  	[smem:$0x3FAE] =	sst s0  }
0x9: {  	[smem:$0x3FAF] =	sst s1  }
0xa: {  	[smem:$0x3FB0] =	sst s2  }
0xb: {  	[smem:$0x3FB1] =	sst s3  }
0xc: {  	[smem:$0x3FB2] =	sst s4  }
0xd: {  	[smem:$0x3FB3] =	sst s5  }
0xe: {  	[smem:$0x3FB4] =	sst s6  }
0xf: {  	[smem:$0x3FB5] =	sst s7  }
0x10: {  	[smem:$0x3FB6] =	sst s8  }
0x11: {  	[smem:$0x3FB7] =	sst s9;
	s0 =	simm.s32 @!p0 $0x0  }
0x12: {  	s1 =	sld [smem:$0x3F9D];
	s0 =	simm.s32 @p0 $0x1  }
0x13: {  	[smem:$0x3FB8] =	sst s0;
	s0 =	simm.s32 @!p1 $0x0  }
0x14: {  	s2 =	sld [smem:$0x3F9C];
	s0 =	simm.s32 @p1 $0x1  }
0x15: {  	[smem:$0x3FB9] =	sst s0;
	s0 =	simm.s32 @!p2 $0x0  }
0x16: {  	s3 =	sld [smem:$0x3FDB];
	s0 =	simm.s32 @p2 $0x1  }
0x17: {  	s4 =	simm.s32 $0x1BF5;
	[smem:$0x3FBB] =	sst s0  }
0x18: {  	s0 =	sld [smem:$0x3F9E];
	_ =	swait.ge [sflag:s4], $0x0  }
0x19: {  	s7 =	sld [smem:$0x3F9F]  }
0x1a: {  	s8 =	sadd.s32 $0xFFFFE003, lr  }
0x1b: {  	s9 =	sadd.s32 $0xFFFFFEF7, lr;
	s5 =	simm.s32 $0xFFFFFFFF;
	p2 =	slt.u32 s8, $0xFFFFF086  }
0x1c: {  	p1 =	slt.u32 s9, $0xF7A;
	s5 =	simm.s32 @!p2 $0x0  }
0x1d: {  	s5 =	simm.s32 @p1 $0x1;
	p0 =	seq.s32 s7, s2  }
0x1e: {  	s7 =	smul.u32 @!p0 $0xF7A, s2;
	p2 =	seq.s32 @!p0 s5, $0x0  }
0x1f: {  	s9 =	smul.u32 $0xF7A, s1;
	s8 =	simm.s32 @!p0 $0x1BF5;
	p2 =	por !p2, p0  }
0x20: {  	[sflag:s8] =	ssyncset.s32 @!p0 $0xFFFFF086;
	s6 =	sadd.s32 @!p0 s3, s7;
	s7 =	simm.s32 @!p0 $0x108  }
0x21: {  	s3 =	sadd.s32 s3, s9;
	s6 =	sadd.s32 @!p0 $0x88, s6;
	s7 =	simm.s32 @p2 $0x1082  }
0x22: {  	[simem:s7], [sflag:s8] =	dma.local @!p0 [hbm:s6], $0xF7A  }
0x23: {  	s9 =	sor.u32 $0xD0000000, s2;
	s6 =	simm.s32 $0x108;
	_ =	swait.ge @!p0 [sflag:s8], $0x0  }
0x24: {  	s3 =	sadd.s32 $0x88, s3;
	s6 =	simm.s32 @!p1 $0x1082;
	[sflag:s4] =	ssyncset.s32 $0xFFFFF086  }
0x25: {  	[simem:s6], [sflag:s4] =	dma.local [hbm:s3], $0xF7A  }
0x26: {  	[smem:$0x3F9F] =	sst s1;
	(tag) =	ssettag s2;
	_ =	strace s9  }
0x27: {  	s1 =	sld [smem:$0x3FAF]  }
0x28: {  	s2 =	sld [smem:$0x3FB0]  }
0x29: {  	s4 =	sld [smem:$0x3FB2]  }
0x2a: {  	p0 =	seq.s32 s5, $0x0;
	s5 =	sld [smem:$0x3FB3]  }
0x2b: {  	s6 =	sld [smem:$0x3FB4]  }
0x2c: {  	s7 =	sld [smem:$0x3FB5]  }
0x2d: {  	s3 =	simm.s32 $0x108;
	s8 =	sld [smem:$0x3FB6]  }
0x2e: {  	s3 =	simm.s32 @!p0 $0x1082;
	s9 =	sld [smem:$0x3FB7]  }
0x2f: {  	lr =	sadd.s32 s0, s3;
	s0 =	sld [smem:$0x3FAE]  }
0x30: {  	s3 =	sld [smem:$0x3FB1]  }
0x31: {  	[smem:$0x3FBA] =	sst s10  }
0x32: {  	s10 =	sld [smem:$0x3FB8];
	_ =	sdelay $0x3  }
0x33: {  	p0 =	seq.s32 s10, $0x1;
	s10 =	sld [smem:$0x3FBA];
	_ =	sdelay $0x3  }
0x34: {  	[smem:$0x3FBA] =	sst s10  }
0x35: {  	s10 =	sld [smem:$0x3FB9];
	_ =	sdelay $0x3  }
0x36: {  	p1 =	seq.s32 s10, $0x1;
	s10 =	sld [smem:$0x3FBA];
	_ =	sdelay $0x3  }
0x37: {  	[smem:$0x3FBA] =	sst s10  }
0x38: {  	s10 =	sld [smem:$0x3FBB]  }
0x39: {  	_ = 	snop;
	(pc) =	sbr.ind lr, $3  }
0x3a: {  	_ = 	snop  }
0x3b: {  	_ = 	snop  }
0x3c: {  	p2 =	seq.s32 s10, $0x1;
	s10 =	sld [smem:$0x3FBA]  }
0x3d: {  	_ =	shalt  }
0x3e: {  	_ =	shalt  }
0x3f: {  	_ =	shalt  }
0x40: {  	_ =	shalt  }
0x41: {  	_ =	shalt  }
0x42: {  	_ =	shalt  }
0x43: {  	_ =	shalt  }
0x44: {  	_ =	shalt  }
0x45: {  	_ =	shalt  }
0x46: {  	_ =	shalt  }
0x47: {  	_ =	shalt  }
0x48: {  	_ =	shalt  }
0x49: {  	_ =	shalt  }
0x4a: {  	_ =	shalt  }
0x4b: {  	_ =	shalt  }
0x4c: {  	_ =	shalt  }
0x4d: {  	_ =	shalt  }
0x4e: {  	_ =	shalt  }
0x4f: {  	_ =	shalt  }
0x50: {  	_ =	shalt  }
0x51: {  	_ =	shalt  }
0x52: {  	_ =	shalt  }
0x53: {  	_ =	shalt  }
0x54: {  	_ =	shalt  }
0x55: {  	_ =	shalt  }
0x56: {  	_ =	shalt  }
0x57: {  	_ =	shalt  }
0x58: {  	_ =	shalt  }
0x59: {  	_ =	shalt  }
0x5a: {  	_ =	shalt  }
0x5b: {  	_ =	shalt  }
0x5c: {  	_ =	shalt  }
0x5d: {  	_ =	shalt  }
0x5e: {  	_ =	shalt  }
0x5f: {  	_ =	shalt  }
0x60: {  	_ =	shalt  }
0x61: {  	_ =	shalt  }
0x62: {  	_ =	shalt  }
0x63: {  	_ =	shalt  }
0x64: {  	_ =	shalt  }
0x65: {  	_ =	shalt  }
0x66: {  	_ =	shalt  }
0x67: {  	_ =	shalt  }
0x68: {  	_ =	shalt  }
0x69: {  	_ =	shalt  }
0x6a: {  	_ =	shalt  }
0x6b: {  	_ =	shalt  }
0x6c: {  	_ =	shalt  }
0x6d: {  	_ =	shalt  }
0x6e: {  	_ =	shalt  }
0x6f: {  	_ =	shalt  }
0x70: {  	_ =	shalt  }
0x71: {  	_ =	shalt  }
0x72: {  	_ =	shalt  }
0x73: {  	_ =	shalt  }
0x74: {  	_ =	shalt  }
0x75: {  	_ =	shalt  }
0x76: {  	_ =	shalt  }
0x77: {  	_ =	shalt  }
0x78: {  	_ =	shalt  }
0x79: {  	_ =	shalt  }
0x7a: {  	_ =	shalt  }
0x7b: {  	_ =	shalt  }
0x7c: {  	_ =	shalt  }
0x7d: {  	_ =	shalt  }
0x7e: {  	_ =	shalt  }
0x7f: {  	_ =	shalt  }
0x80: {  	_ =	shalt  }
0x81: {  	_ =	shalt  }
0x82: {  	_ =	shalt  }
0x83: {  	_ =	shalt  }
0x84: {  	_ =	shalt  }
0x85: {  	_ =	shalt  }
0x86: {  	_ =	shalt  }
0x87: {  	_ =	shalt  }
.Lfunc_end0:
.L_simem_size_0:
called_computation_lowered:
.L_overlay_start_0:
0x88: {  	s2 =	sld [smem:$0x3FD9]  }
0x89: {  	s3 =	sld [smem:$0x3FFE];
	_ =	sdelay $0x1  }
0x8a: {  	s1 =	srdreg.scid  }
0x8b: {  	s0 =	sand.u32 $0x1, s1  }
0x8c: {  	s17 =	sshll.u32 s0, $0xA;
	s2 =	sadd.s32 s3, s2  }
0x8d: {  	s2 =	sadd.s32 s2, s17  }
0x8e: {  	[smem:$0x3FC6] =	sst s2  }
0x8f: {  	_ = 	snop  }
0x90: {  	s2 =	sld [smem:$0x3FD0];
	(tm) =	ssettm $0x1  }
0x91: {  	s18 =	sld [smem:$0x3FFB];
	_ =	sdelay $0x3  }
0x92: {  	_ =	strace s18  }
0x93: {  	s3 =	sld [smem:$0x3FFC];
	_ =	sdelay $0x3  }
0x94: {  	_ =	strace s3  }
0x95: {  	s3 =	sld [smem:$0x3FFD];
	_ =	sdelay $0x3  }
0x96: {  	_ =	strace s3  }
0x97: {  	_ =	strace $0x8FFFFFFF  }
0x98: {  	s19 =	sld [smem:$0x3FDB];
	_ =	sdelay $0x1  }
0x99: {  	s4 =	simm.s32 $_scs_section_size  }
0x9a: {  	s5 =	simm.s32 $_size__tile_overlayer_lowered;
	s6 =	simm.s32 $_tile_overlayer_lowered  }
0x9b: {  	s22 =	simm.s32 $0x1BFF;
	s21 =	sshll.u32 s6, $0x1;
	s3 =	sadd.s32 s4, s19  }
0x9c: {  	s7 =	simm.s32 $0x0;
	s20 =	sshll.u32 s5, $0x1;
	s5 =	sadd.s32 s21, s3  }
0x9d: {  	[timem:s7], [sflag:s22] =	dma.local [hbm:s5], s20  }
0x9e: {  	_ =	swait.ge [sflag:s22], s20  }
0x9f: {  	s4 =	ssub.s32 $0x0, s20;
	[sflag:s22] =	ssyncset.done $0x0  }
0xa0: {  	[sflag:s22] =	ssyncadd.s32 s4;
	_ =	sdelay $0x1  }
0xa1: {  	s23 =	simm.s32 $0x1B8B  }
0xa2: {  	_ =	swait.ge [sflag:s23], $0x1  }
0xa3: {  	[sflag:s23] =	ssyncset.done $0x0  }
0xa4: {  	s25 =	simm.s32 $0x1B8E;
	s24 =	sld [smem:$0x3FFE];
	[sflag:s23] =	ssyncadd.s32 $0xFFFFFFFF  }
0xa5: {  	s26 =	simm.s32 $execute0_lowered;
	[smem:$0x3FD2] =	sst s25  }
0xa6: {  	s5 =	sshll.u32 s26, $0x1;
	_ =	strace $0x80000046;
	[dreg:$0x1] =	wrdreg $0xFFFFFFFF  }
0xa7: {  	s28 =	simm.s32 $_size_execute0_lowered;
	s3 =	sadd.s32 s3, s5;
	[dreg:$0x0] =	wrdreg $0x0  }
0xa8: {  	s5 =	sshll.u32 s28, $0x1;
	[dreg:$0x2] =	wrdreg s3  }
0xa9: {  	[dreg:$0x3] =	wrdreg s5  }
0xaa: {  	[dreg:$0x4] =	wrdreg $0xC0  }
0xab: {  	_ =	task [dreg:s7], $0x5FFFF  }
0xac: {  	[dreg:$0x1] =	wrdreg $0xFFFFFFFF  }
0xad: {  	[dreg:$0x0] =	wrdreg $0x60  }
0xae: {  	[dreg:$0x2] =	wrdreg s2  }
0xaf: {  	[dreg:$0x3] =	wrdreg s24  }
0xb0: {  	[dreg:$0x4] =	wrdreg $0x9  }
0xb1: {  	_ =	task.clear_ibuf [dreg:s7], $0x5FFFF;
	_ =	strace $0x90000046  }
0xb2: {  	s29 =	simm.s32 $0x9;
	_ =	strace $0x80000048  }
0xb3: {  	_ =	swait.ge [sflag:s29], $0x1  }
0xb4: {  	[sflag:s29] =	ssyncadd.s32 $0xFFFFFFFF  }
0xb5: {  	_ =	strace $0x90000048  }
0xb6: {  	_ =	sfence  }
0xb7: {  	s30 =	sld [smem:$0x0];
	_ =	sdelay $0x2  }
0xb8: {  	s31 =	sshll.u32 s1, $0xD;
	s1 =	sshrl.u32 s1, $0x2  }
0xb9: {  	s3 =	sand.u32 $0x4000, s31;
	s1 =	sadd.s32 s1, s30  }
0xba: {  	s0 =	sor.u32 s3, s0;
	s1 =	sshll.u32 s1, $0x11  }
0xbb: {  	s0 =	sor.u32 s1, s0  }
0xbc: {  	s0 =	sadd.s32 $0x8F2B, s0  }
0xbd: {  	[sflag:s0] =	ssyncadd.remote.s32 $0x1  }
0xbe: {  	_ =	sfence.sel $0xFFFF  }
0xbf: {  	[dreg:$0x0] =	wrdreg $0xFFFFFFFF;
	(pc) =	sbr.abs _section_cstart, $3  }
0xc0: {  	[dreg:$0x1] =	wrdreg $0xFFFFFFFF  }
0xc1: {  	_ =	task.clear_ibuf [dreg:s7], $0x2FFFF;
	_ =	strace $0x9FFFFFFF  }
0xc2: {  	(tm) =	ssettm $0x7FFFFFFF  }
0xc3: {  	_ =	shalt  }
tec
execute0_lowered:
.L_overlay_start_1:
0x0: {  	(tag) =	ssettag $0x1  }
0x1: {  	s4 =	rddreg [dreg:$0x0]  }
0x2: {  	s3 =	rddreg [dreg:$0x1]  }
0x3: {  	s0 =	rddreg [dreg:$0x2];
	s5 =	srdreg.scid  }
0x4: {  	s2 =	simm.s32 $0x0;
	s1 =	stileid.u32;
	s11 =	simm.s32 $0x8000  }
0x5: {  	s12 =	simm.s32 $0xC000;
	s13 =	simm.s32 $0x10000;
	s14 =	simm.s32 $0x3  }
0x6: {  	s15 =	simm.s32 $0x4;
	s16 =	simm.s32 $0x0;
	s5 =	sand.u32 $0x1, s5  }
0x7: {  	[smem:$0x7FF] =	sst s2;
	s6 =	sshll.u32 s1, $0xB;
	s9 =	sshll.u32 s1, $0x11  }
0x8: {  	s7 =	sshll.u32 s5, $0xA;
	_ =	strace $0x80000047;
	s30 =	ssub.s32 $0x2, s5  }
0x9: {  	s9 =	sadd.s32 s9, s3;
	s5 =	sshll.u32 s5, $0x10;
	s6 =	sor.u32 s7, s6  }
0xa: {  	s10 =	sshrl.u32 s30, $0x1;
	s31 =	sadd.s32 s5, s9;
	s9 =	simm.s32 $0x2  }
0xb: {  	s8 =	sadd.s32 s6, s3;
	s7 =	ssub.s32 s30, s10;
	s4 =	sadd.s32 s4, s6  }
0xc: {  	s6 =	sadd.s32 $0x8400, s31;
	s10 =	simm.s32 $0x4000;
	s3 =	sadd.s32 $0x400, s8  }
0xd: {  	v0 =	vimm.f32 $0.0e+00;
	s5 =	smax.u32 s7, $0x1;
	s7 =	simm.s32 $0x2000;
	s8 =	simm.s32 $0x1  }
.LBB2_1:
0xe: {  	[tilespmem:s2], [sflag:$0x1] =	stream.linear.gather [hbm4b:s3+s2], $0x2000, $0x38;
	[tilespmem:$0x14000] =	vst v63  }
0xf: {  	s18 =	simm.s32 $0x40;
	s17 =	simm.s32 $0x0  }
0x10: {  	[tilespmem:s7], [sflag:$0x2] =	stream.linear.gather [hbm4b:s4+s2], $0x2000, $0x38;
	[tilespmem:$0x14000] =	vst v63  }
.LBB2_2:
0x11: {  	p0 =	sne.s32 s18, $0xFFC0;
	[tilespmem:s17+$0x10000] =	vst v0;
	s19 =	smov.u32 s18;
	s18 =	sadd.s32 $0x40, s18  }
.Ltmp0:
0x12: {  	[tilespmem:s17+$0xC000] =	vst v0;
	(pc) =	sbr.rel @p0 .LBB2_2-.Ltmp0, $3  }
0x13: {  	[tilespmem:s17+$0x4000] =	vst v0  }
0x14: {  	[tilespmem:s17+$0x8000] =	vst v0;
	_ =	sdelay $0x1  }
0x15: {  	s17 =	sshra.s32 s19, $0x2  }
0x16: {  	[tilespmem:s17+$0x10000] =	vst v0  }
0x17: {  	[tilespmem:s17+$0xC000] =	vst v0  }
0x18: {  	[tilespmem:s17+$0x4000] =	vst v0  }
0x19: {  	[tilespmem:s17+$0x8000] =	vst v0  }
0x1a: {  	_ =	swait.ge [sflag:s8], $0x2000  }
0x1b: {  	[sflag:s8] =	ssyncset.done $0x0  }
0x1c: {  	[sflag:s8] =	ssyncadd.s32 $0xFFFFE000  }
0x1d: {  	_ =	swait.ge [sflag:s9], $0x2000  }
0x1e: {  	s17 =	simm.s32 $0x0;
	[sflag:s9] =	ssyncset.done $0x0  }
0x1f: {  	s18 =	simm.s32 $0x2200;
	s19 =	simm.s32 $0x0;
	[sflag:s9] =	ssyncadd.s32 $0xFFFFE000  }
.LBB2_4:
0x20: {  	p0 =	seq.s32 s19, $0x0  }
0x21: {  	s20 =	simm.s32 @!p0 $0x1  }
0x22: {  	_ =	swait.ge @!p0 [sflag:s20], $0x4000  }
0x23: {  	[sflag:s20] =	ssyncset.done @!p0 $0x0  }
0x24: {  	[sflag:s20] =	ssyncadd.s32 @!p0 $0xFFFFC000  }
0x25: {  	v2 =	vld @!p0 [tilespmem:s17+$0xFFFFFC00];
	_ =	sdelay $0x6  }
0x26: {  	v1 =	vimm.f32 @!p0 $0.0e+00;
	s20 =	simm.s32 @!p0 $0x4000  }
0x27: {  	[tilespmem:v2+s20+$0x0] =	vst.idx.msk @!p0 $0xffff, v1  }
0x28: {  	v2 =	vld @!p0 [tilespmem:s17+$0xFFFFFC10];
	_ =	sdelay $0x7  }
0x29: {  	[tilespmem:v2+s20+$0x0] =	vst.idx.msk @!p0 $0xffff, v1  }
0x2a: {  	v2 =	vld @!p0 [tilespmem:s17+$0xFFFFFC20];
	_ =	sdelay $0x7  }
0x2b: {  	[tilespmem:v2+s20+$0x0] =	vst.idx.msk @!p0 $0xffff, v1  }
0x2c: {  	v2 =	vld @!p0 [tilespmem:s17+$0xFFFFFC30];
	_ =	sdelay $0x7  }
0x2d: {  	[tilespmem:v2+s20+$0x0] =	vst.idx.msk @!p0 $0xffff, v1  }
0x2e: {  	v2 =	vld @!p0 [tilespmem:s17+$0xFFFFFC40];
	_ =	sdelay $0x4  }
0x2f: {  	v2 =	vadd.s32 @!p0 $0x1000, v2;
	_ =	sdelay $0x4  }
0x30: {  	[tilespmem:v2+s20+$0x0] =	vst.idx.msk @!p0 $0xffff, v1  }
0x31: {  	v2 =	vld @!p0 [tilespmem:s17+$0xFFFFFC50];
	_ =	sdelay $0x4  }
0x32: {  	v2 =	vadd.s32 @!p0 $0x1000, v2;
	_ =	sdelay $0x4  }
0x33: {  	[tilespmem:v2+s20+$0x0] =	vst.idx.msk @!p0 $0xffff, v1  }
0x34: {  	v2 =	vld @!p0 [tilespmem:s17+$0xFFFFFC60];
	_ =	sdelay $0x4  }
0x35: {  	v2 =	vadd.s32 @!p0 $0x1000, v2;
	_ =	sdelay $0x4  }
0x36: {  	[tilespmem:v2+s20+$0x0] =	vst.idx.msk @!p0 $0xffff, v1  }
0x37: {  	v2 =	vld @!p0 [tilespmem:s17+$0xFFFFFC70];
	_ =	sdelay $0x4  }
0x38: {  	v2 =	vadd.s32 @!p0 $0x1000, v2;
	_ =	sdelay $0x4  }
0x39: {  	[tilespmem:v2+s20+$0x0] =	vst.idx.msk @!p0 $0xffff, v1  }
0x3a: {  	v2 =	vld @!p0 [tilespmem:s17+$0xFFFFFC80];
	_ =	sdelay $0x4  }
0x3b: {  	v2 =	vadd.s32 @!p0 $0x2000, v2;
	_ =	sdelay $0x4  }
0x3c: {  	[tilespmem:v2+s20+$0x0] =	vst.idx.msk @!p0 $0xffff, v1  }
0x3d: {  	v2 =	vld @!p0 [tilespmem:s17+$0xFFFFFC90];
	_ =	sdelay $0x4  }
0x3e: {  	v2 =	vadd.s32 @!p0 $0x2000, v2;
	_ =	sdelay $0x4  }
0x3f: {  	[tilespmem:v2+s20+$0x0] =	vst.idx.msk @!p0 $0xffff, v1  }
0x40: {  	v2 =	vld @!p0 [tilespmem:s17+$0xFFFFFCA0];
	_ =	sdelay $0x4  }
0x41: {  	v2 =	vadd.s32 @!p0 $0x2000, v2;
	_ =	sdelay $0x4  }
0x42: {  	[tilespmem:v2+s20+$0x0] =	vst.idx.msk @!p0 $0xffff, v1  }
0x43: {  	v2 =	vld @!p0 [tilespmem:s17+$0xFFFFFCB0];
	_ =	sdelay $0x4  }
0x44: {  	v2 =	vadd.s32 @!p0 $0x2000, v2;
	_ =	sdelay $0x4  }
0x45: {  	[tilespmem:v2+s20+$0x0] =	vst.idx.msk @!p0 $0xffff, v1  }
0x46: {  	v2 =	vld @!p0 [tilespmem:s17+$0xFFFFFCC0];
	_ =	sdelay $0x4  }
0x47: {  	v2 =	vadd.s32 @!p0 $0x3000, v2;
	_ =	sdelay $0x4  }
0x48: {  	[tilespmem:v2+s20+$0x0] =	vst.idx.msk @!p0 $0xffff, v1  }
0x49: {  	v2 =	vld @!p0 [tilespmem:s17+$0xFFFFFCD0];
	_ =	sdelay $0x4  }
0x4a: {  	v2 =	vadd.s32 @!p0 $0x3000, v2;
	_ =	sdelay $0x4  }
0x4b: {  	[tilespmem:v2+s20+$0x0] =	vst.idx.msk @!p0 $0xffff, v1  }
0x4c: {  	v2 =	vld @!p0 [tilespmem:s17+$0xFFFFFCE0];
	_ =	sdelay $0x4  }
0x4d: {  	v2 =	vadd.s32 @!p0 $0x3000, v2;
	_ =	sdelay $0x4  }
0x4e: {  	[tilespmem:v2+s20+$0x0] =	vst.idx.msk @!p0 $0xffff, v1  }
0x4f: {  	v2 =	vld @!p0 [tilespmem:s17+$0xFFFFFCF0];
	_ =	sdelay $0x4  }
0x50: {  	v2 =	vadd.s32 @!p0 $0x3000, v2;
	_ =	sdelay $0x4  }
0x51: {  	[tilespmem:v2+s20+$0x0] =	vst.idx.msk @!p0 $0xffff, v1  }
0x52: {  	v2 =	vld [tilespmem:s17+$0x0];
	_ =	sdelay $0x2  }
0x53: {  	v3 =	vld [tilespmem:s18+$0xFFFFFE00];
	_ =	sdelay $0x4  }
0x54: {  	[tilespmem:v2+s10+$0x0] =	vst.idx.msk $0xffff, v3  }
0x55: {  	v2 =	vld [tilespmem:s17+$0x10];
	_ =	sdelay $0x2  }
0x56: {  	v3 =	vld [tilespmem:s18+$0xFFFFFE10];
	_ =	sdelay $0x4  }
0x57: {  	[tilespmem:v2+s10+$0x0] =	vst.idx.msk $0xffff, v3  }
0x58: {  	v2 =	vld [tilespmem:s17+$0x20];
	_ =	sdelay $0x2  }
0x59: {  	v3 =	vld [tilespmem:s18+$0xFFFFFE20];
	_ =	sdelay $0x4  }
0x5a: {  	[tilespmem:v2+s10+$0x0] =	vst.idx.msk $0xffff, v3  }
0x5b: {  	v2 =	vld [tilespmem:s17+$0x30];
	_ =	sdelay $0x2  }
0x5c: {  	v3 =	vld [tilespmem:s18+$0xFFFFFE30];
	_ =	sdelay $0x4  }
0x5d: {  	[tilespmem:v2+s10+$0x0] =	vst.idx.msk $0xffff, v3  }
0x5e: {  	v2 =	vld [tilespmem:s17+$0x40];
	_ =	sdelay $0x4  }
0x5f: {  	v3 =	vld [tilespmem:s18+$0xFFFFFE40];
	v2 =	vadd.s32 $0x1000, v2;
	_ =	sdelay $0x4  }
0x60: {  	[tilespmem:v2+s10+$0x0] =	vst.idx.msk $0xffff, v3  }
0x61: {  	v2 =	vld [tilespmem:s17+$0x50];
	_ =	sdelay $0x4  }
0x62: {  	v3 =	vld [tilespmem:s18+$0xFFFFFE50];
	v2 =	vadd.s32 $0x1000, v2;
	_ =	sdelay $0x4  }
0x63: {  	[tilespmem:v2+s10+$0x0] =	vst.idx.msk $0xffff, v3  }
0x64: {  	v2 =	vld [tilespmem:s17+$0x60];
	_ =	sdelay $0x4  }
0x65: {  	v3 =	vld [tilespmem:s18+$0xFFFFFE60];
	v2 =	vadd.s32 $0x1000, v2;
	_ =	sdelay $0x4  }
0x66: {  	[tilespmem:v2+s10+$0x0] =	vst.idx.msk $0xffff, v3  }
0x67: {  	v2 =	vld [tilespmem:s17+$0x70];
	_ =	sdelay $0x4  }
0x68: {  	v3 =	vld [tilespmem:s18+$0xFFFFFE70];
	v2 =	vadd.s32 $0x1000, v2;
	_ =	sdelay $0x4  }
0x69: {  	[tilespmem:v2+s10+$0x0] =	vst.idx.msk $0xffff, v3  }
0x6a: {  	v2 =	vld [tilespmem:s17+$0x80];
	_ =	sdelay $0x4  }
0x6b: {  	v3 =	vld [tilespmem:s18+$0xFFFFFE80];
	v2 =	vadd.s32 $0x2000, v2;
	_ =	sdelay $0x4  }
0x6c: {  	[tilespmem:v2+s10+$0x0] =	vst.idx.msk $0xffff, v3  }
0x6d: {  	v2 =	vld [tilespmem:s17+$0x90];
	_ =	sdelay $0x4  }
0x6e: {  	v3 =	vld [tilespmem:s18+$0xFFFFFE90];
	v2 =	vadd.s32 $0x2000, v2;
	_ =	sdelay $0x4  }
0x6f: {  	[tilespmem:v2+s10+$0x0] =	vst.idx.msk $0xffff, v3  }
0x70: {  	v2 =	vld [tilespmem:s17+$0xA0];
	_ =	sdelay $0x4  }
0x71: {  	v3 =	vld [tilespmem:s18+$0xFFFFFEA0];
	v2 =	vadd.s32 $0x2000, v2;
	_ =	sdelay $0x4  }
0x72: {  	[tilespmem:v2+s10+$0x0] =	vst.idx.msk $0xffff, v3  }
0x73: {  	v2 =	vld [tilespmem:s17+$0xB0];
	_ =	sdelay $0x4  }
0x74: {  	v3 =	vld [tilespmem:s18+$0xFFFFFEB0];
	v2 =	vadd.s32 $0x2000, v2;
	_ =	sdelay $0x4  }
0x75: {  	[tilespmem:v2+s10+$0x0] =	vst.idx.msk $0xffff, v3  }
0x76: {  	v2 =	vld [tilespmem:s17+$0xC0];
	_ =	sdelay $0x4  }
0x77: {  	v3 =	vld [tilespmem:s18+$0xFFFFFEC0];
	v2 =	vadd.s32 $0x3000, v2;
	_ =	sdelay $0x4  }
0x78: {  	[tilespmem:v2+s10+$0x0] =	vst.idx.msk $0xffff, v3  }
0x79: {  	v2 =	vld [tilespmem:s17+$0xD0];
	_ =	sdelay $0x4  }
0x7a: {  	v3 =	vld [tilespmem:s18+$0xFFFFFED0];
	v2 =	vadd.s32 $0x3000, v2;
	_ =	sdelay $0x4  }
0x7b: {  	[tilespmem:v2+s10+$0x0] =	vst.idx.msk $0xffff, v3  }
0x7c: {  	v2 =	vld [tilespmem:s17+$0xE0];
	_ =	sdelay $0x4  }
0x7d: {  	v3 =	vld [tilespmem:s18+$0xFFFFFEE0];
	v2 =	vadd.s32 $0x3000, v2;
	_ =	sdelay $0x4  }
0x7e: {  	[tilespmem:v2+s10+$0x0] =	vst.idx.msk $0xffff, v3  }
0x7f: {  	v2 =	vld [tilespmem:s17+$0xF0];
	_ =	sdelay $0x4  }
0x80: {  	v3 =	vld [tilespmem:s18+$0xFFFFFEF0];
	v2 =	vadd.s32 $0x3000, v2;
	_ =	sdelay $0x4  }
0x81: {  	s29 =	sadd.s32 s19, s6;
	s21 =	simm.s32 @!p0 $0x2;
	[tilespmem:v2+s10+$0x0] =	vst.idx.msk $0xffff, v3  }
0x82: {  	[hbm4b:s29+s2] =	stream.linear.scatter [tilespmem:s10], [sflag:$0x1], $0x4000, $0x38;
	[tilespmem:$0x14000] =	vst v63  }
0x83: {  	_ =	swait.ge @!p0 [sflag:s21], $0x4000  }
0x84: {  	[sflag:s21] =	ssyncset.done @!p0 $0x0  }
0x85: {  	[sflag:s21] =	ssyncadd.s32 @!p0 $0xFFFFC000  }
0x86: {  	v2 =	vld @!p0 [tilespmem:s17+$0xFFFFFD00];
	_ =	sdelay $0x6  }
0x87: {  	s21 =	simm.s32 @!p0 $0x8000  }
0x88: {  	[tilespmem:v2+s21+$0x0] =	vst.idx.msk @!p0 $0xffff, v1  }
0x89: {  	v2 =	vld @!p0 [tilespmem:s17+$0xFFFFFD10];
	_ =	sdelay $0x7  }
0x8a: {  	[tilespmem:v2+s21+$0x0] =	vst.idx.msk @!p0 $0xffff, v1  }
0x8b: {  	v2 =	vld @!p0 [tilespmem:s17+$0xFFFFFD20];
	_ =	sdelay $0x7  }
0x8c: {  	[tilespmem:v2+s21+$0x0] =	vst.idx.msk @!p0 $0xffff, v1  }
0x8d: {  	v2 =	vld @!p0 [tilespmem:s17+$0xFFFFFD30];
	_ =	sdelay $0x7  }
0x8e: {  	[tilespmem:v2+s21+$0x0] =	vst.idx.msk @!p0 $0xffff, v1  }
0x8f: {  	v2 =	vld @!p0 [tilespmem:s17+$0xFFFFFD40];
	_ =	sdelay $0x4  }
0x90: {  	v2 =	vadd.s32 @!p0 $0x1000, v2;
	_ =	sdelay $0x4  }
0x91: {  	[tilespmem:v2+s21+$0x0] =	vst.idx.msk @!p0 $0xffff, v1  }
0x92: {  	v2 =	vld @!p0 [tilespmem:s17+$0xFFFFFD50];
	_ =	sdelay $0x4  }
0x93: {  	v2 =	vadd.s32 @!p0 $0x1000, v2;
	_ =	sdelay $0x4  }
0x94: {  	[tilespmem:v2+s21+$0x0] =	vst.idx.msk @!p0 $0xffff, v1  }
0x95: {  	v2 =	vld @!p0 [tilespmem:s17+$0xFFFFFD60];
	_ =	sdelay $0x4  }
0x96: {  	v2 =	vadd.s32 @!p0 $0x1000, v2;
	_ =	sdelay $0x4  }
0x97: {  	[tilespmem:v2+s21+$0x0] =	vst.idx.msk @!p0 $0xffff, v1  }
0x98: {  	v2 =	vld @!p0 [tilespmem:s17+$0xFFFFFD70];
	_ =	sdelay $0x4  }
0x99: {  	v2 =	vadd.s32 @!p0 $0x1000, v2;
	_ =	sdelay $0x4  }
0x9a: {  	[tilespmem:v2+s21+$0x0] =	vst.idx.msk @!p0 $0xffff, v1  }
0x9b: {  	v2 =	vld @!p0 [tilespmem:s17+$0xFFFFFD80];
	_ =	sdelay $0x4  }
0x9c: {  	v2 =	vadd.s32 @!p0 $0x2000, v2;
	_ =	sdelay $0x4  }
0x9d: {  	[tilespmem:v2+s21+$0x0] =	vst.idx.msk @!p0 $0xffff, v1  }
0x9e: {  	v2 =	vld @!p0 [tilespmem:s17+$0xFFFFFD90];
	_ =	sdelay $0x4  }
0x9f: {  	v2 =	vadd.s32 @!p0 $0x2000, v2;
	_ =	sdelay $0x4  }
0xa0: {  	[tilespmem:v2+s21+$0x0] =	vst.idx.msk @!p0 $0xffff, v1  }
0xa1: {  	v2 =	vld @!p0 [tilespmem:s17+$0xFFFFFDA0];
	_ =	sdelay $0x4  }
0xa2: {  	v2 =	vadd.s32 @!p0 $0x2000, v2;
	_ =	sdelay $0x4  }
0xa3: {  	[tilespmem:v2+s21+$0x0] =	vst.idx.msk @!p0 $0xffff, v1  }
0xa4: {  	v2 =	vld @!p0 [tilespmem:s17+$0xFFFFFDB0];
	_ =	sdelay $0x4  }
0xa5: {  	v2 =	vadd.s32 @!p0 $0x2000, v2;
	_ =	sdelay $0x4  }
0xa6: {  	[tilespmem:v2+s21+$0x0] =	vst.idx.msk @!p0 $0xffff, v1  }
0xa7: {  	v2 =	vld @!p0 [tilespmem:s17+$0xFFFFFDC0];
	_ =	sdelay $0x4  }
0xa8: {  	v2 =	vadd.s32 @!p0 $0x3000, v2;
	_ =	sdelay $0x4  }
0xa9: {  	[tilespmem:v2+s21+$0x0] =	vst.idx.msk @!p0 $0xffff, v1  }
0xaa: {  	v2 =	vld @!p0 [tilespmem:s17+$0xFFFFFDD0];
	_ =	sdelay $0x4  }
0xab: {  	v2 =	vadd.s32 @!p0 $0x3000, v2;
	_ =	sdelay $0x4  }
0xac: {  	[tilespmem:v2+s21+$0x0] =	vst.idx.msk @!p0 $0xffff, v1  }
0xad: {  	v2 =	vld @!p0 [tilespmem:s17+$0xFFFFFDE0];
	_ =	sdelay $0x4  }
0xae: {  	v2 =	vadd.s32 @!p0 $0x3000, v2;
	_ =	sdelay $0x4  }
0xaf: {  	[tilespmem:v2+s21+$0x0] =	vst.idx.msk @!p0 $0xffff, v1  }
0xb0: {  	v2 =	vld @!p0 [tilespmem:s17+$0xFFFFFDF0];
	_ =	sdelay $0x4  }
0xb1: {  	v2 =	vadd.s32 @!p0 $0x3000, v2;
	_ =	sdelay $0x4  }
0xb2: {  	[tilespmem:v2+s21+$0x0] =	vst.idx.msk @!p0 $0xffff, v1  }
0xb3: {  	v2 =	vld [tilespmem:s17+$0x100];
	_ =	sdelay $0x2  }
0xb4: {  	v3 =	vld [tilespmem:s18+$0xFFFFFF00];
	_ =	sdelay $0x4  }
0xb5: {  	[tilespmem:v2+s11+$0x0] =	vst.idx.msk $0xffff, v3  }
0xb6: {  	v2 =	vld [tilespmem:s17+$0x110];
	_ =	sdelay $0x2  }
0xb7: {  	v3 =	vld [tilespmem:s18+$0xFFFFFF10];
	_ =	sdelay $0x4  }
0xb8: {  	[tilespmem:v2+s11+$0x0] =	vst.idx.msk $0xffff, v3  }
0xb9: {  	v2 =	vld [tilespmem:s17+$0x120];
	_ =	sdelay $0x2  }
0xba: {  	v3 =	vld [tilespmem:s18+$0xFFFFFF20];
	_ =	sdelay $0x4  }
0xbb: {  	[tilespmem:v2+s11+$0x0] =	vst.idx.msk $0xffff, v3  }
0xbc: {  	v2 =	vld [tilespmem:s17+$0x130];
	_ =	sdelay $0x2  }
0xbd: {  	v3 =	vld [tilespmem:s18+$0xFFFFFF30];
	_ =	sdelay $0x4  }
0xbe: {  	[tilespmem:v2+s11+$0x0] =	vst.idx.msk $0xffff, v3  }
0xbf: {  	v2 =	vld [tilespmem:s17+$0x140];
	_ =	sdelay $0x4  }
0xc0: {  	v3 =	vld [tilespmem:s18+$0xFFFFFF40];
	v2 =	vadd.s32 $0x1000, v2;
	_ =	sdelay $0x4  }
0xc1: {  	[tilespmem:v2+s11+$0x0] =	vst.idx.msk $0xffff, v3  }
0xc2: {  	v2 =	vld [tilespmem:s17+$0x150];
	_ =	sdelay $0x4  }
0xc3: {  	v3 =	vld [tilespmem:s18+$0xFFFFFF50];
	v2 =	vadd.s32 $0x1000, v2;
	_ =	sdelay $0x4  }
0xc4: {  	[tilespmem:v2+s11+$0x0] =	vst.idx.msk $0xffff, v3  }
0xc5: {  	v2 =	vld [tilespmem:s17+$0x160];
	_ =	sdelay $0x4  }
0xc6: {  	v3 =	vld [tilespmem:s18+$0xFFFFFF60];
	v2 =	vadd.s32 $0x1000, v2;
	_ =	sdelay $0x4  }
0xc7: {  	[tilespmem:v2+s11+$0x0] =	vst.idx.msk $0xffff, v3  }
0xc8: {  	v2 =	vld [tilespmem:s17+$0x170];
	_ =	sdelay $0x4  }
0xc9: {  	v3 =	vld [tilespmem:s18+$0xFFFFFF70];
	v2 =	vadd.s32 $0x1000, v2;
	_ =	sdelay $0x4  }
0xca: {  	[tilespmem:v2+s11+$0x0] =	vst.idx.msk $0xffff, v3  }
0xcb: {  	v2 =	vld [tilespmem:s17+$0x180];
	_ =	sdelay $0x4  }
0xcc: {  	v3 =	vld [tilespmem:s18+$0xFFFFFF80];
	v2 =	vadd.s32 $0x2000, v2;
	_ =	sdelay $0x4  }
0xcd: {  	[tilespmem:v2+s11+$0x0] =	vst.idx.msk $0xffff, v3  }
0xce: {  	v2 =	vld [tilespmem:s17+$0x190];
	_ =	sdelay $0x4  }
0xcf: {  	v3 =	vld [tilespmem:s18+$0xFFFFFF90];
	v2 =	vadd.s32 $0x2000, v2;
	_ =	sdelay $0x4  }
0xd0: {  	[tilespmem:v2+s11+$0x0] =	vst.idx.msk $0xffff, v3  }
0xd1: {  	v2 =	vld [tilespmem:s17+$0x1A0];
	_ =	sdelay $0x4  }
0xd2: {  	v3 =	vld [tilespmem:s18+$0xFFFFFFA0];
	v2 =	vadd.s32 $0x2000, v2;
	_ =	sdelay $0x4  }
0xd3: {  	[tilespmem:v2+s11+$0x0] =	vst.idx.msk $0xffff, v3  }
0xd4: {  	v2 =	vld [tilespmem:s17+$0x1B0];
	_ =	sdelay $0x4  }
0xd5: {  	v3 =	vld [tilespmem:s18+$0xFFFFFFB0];
	v2 =	vadd.s32 $0x2000, v2;
	_ =	sdelay $0x4  }
0xd6: {  	[tilespmem:v2+s11+$0x0] =	vst.idx.msk $0xffff, v3  }
0xd7: {  	v2 =	vld [tilespmem:s17+$0x1C0];
	_ =	sdelay $0x4  }
0xd8: {  	v3 =	vld [tilespmem:s18+$0xFFFFFFC0];
	v2 =	vadd.s32 $0x3000, v2;
	_ =	sdelay $0x4  }
0xd9: {  	[tilespmem:v2+s11+$0x0] =	vst.idx.msk $0xffff, v3  }
0xda: {  	v2 =	vld [tilespmem:s17+$0x1D0];
	_ =	sdelay $0x4  }
0xdb: {  	v3 =	vld [tilespmem:s18+$0xFFFFFFD0];
	v2 =	vadd.s32 $0x3000, v2;
	_ =	sdelay $0x4  }
0xdc: {  	[tilespmem:v2+s11+$0x0] =	vst.idx.msk $0xffff, v3  }
0xdd: {  	v2 =	vld [tilespmem:s17+$0x1E0];
	_ =	sdelay $0x4  }
0xde: {  	v3 =	vld [tilespmem:s18+$0xFFFFFFE0];
	v2 =	vadd.s32 $0x3000, v2;
	_ =	sdelay $0x4  }
0xdf: {  	[tilespmem:v2+s11+$0x0] =	vst.idx.msk $0xffff, v3  }
0xe0: {  	v2 =	vld [tilespmem:s17+$0x1F0];
	_ =	sdelay $0x4  }
0xe1: {  	v3 =	vld [tilespmem:s18+$0xFFFFFFF0];
	v2 =	vadd.s32 $0x3000, v2;
	_ =	sdelay $0x4  }
0xe2: {  	s30 =	sadd.s32 $0x800, s29;
	s21 =	simm.s32 @!p0 $0x3;
	[tilespmem:v2+s11+$0x0] =	vst.idx.msk $0xffff, v3  }
0xe3: {  	[hbm4b:s30+s2] =	stream.linear.scatter [tilespmem:s11], [sflag:$0x2], $0x4000, $0x38;
	[tilespmem:$0x14000] =	vst v63  }
0xe4: {  	_ =	swait.ge @!p0 [sflag:s21], $0x4000  }
0xe5: {  	[sflag:s21] =	ssyncset.done @!p0 $0x0  }
0xe6: {  	[sflag:s21] =	ssyncadd.s32 @!p0 $0xFFFFC000  }
0xe7: {  	v2 =	vld @!p0 [tilespmem:s17+$0xFFFFFE00];
	_ =	sdelay $0x6  }
0xe8: {  	s21 =	simm.s32 @!p0 $0xC000  }
0xe9: {  	[tilespmem:v2+s21+$0x0] =	vst.idx.msk @!p0 $0xffff, v1  }
0xea: {  	v2 =	vld @!p0 [tilespmem:s17+$0xFFFFFE10];
	_ =	sdelay $0x7  }
0xeb: {  	[tilespmem:v2+s21+$0x0] =	vst.idx.msk @!p0 $0xffff, v1  }
0xec: {  	v2 =	vld @!p0 [tilespmem:s17+$0xFFFFFE20];
	_ =	sdelay $0x7  }
0xed: {  	[tilespmem:v2+s21+$0x0] =	vst.idx.msk @!p0 $0xffff, v1  }
0xee: {  	v2 =	vld @!p0 [tilespmem:s17+$0xFFFFFE30];
	_ =	sdelay $0x7  }
0xef: {  	[tilespmem:v2+s21+$0x0] =	vst.idx.msk @!p0 $0xffff, v1  }
0xf0: {  	v2 =	vld @!p0 [tilespmem:s17+$0xFFFFFE40];
	_ =	sdelay $0x4  }
0xf1: {  	v2 =	vadd.s32 @!p0 $0x1000, v2;
	_ =	sdelay $0x4  }
0xf2: {  	[tilespmem:v2+s21+$0x0] =	vst.idx.msk @!p0 $0xffff, v1  }
0xf3: {  	v2 =	vld @!p0 [tilespmem:s17+$0xFFFFFE50];
	_ =	sdelay $0x4  }
0xf4: {  	v2 =	vadd.s32 @!p0 $0x1000, v2;
	_ =	sdelay $0x4  }
0xf5: {  	[tilespmem:v2+s21+$0x0] =	vst.idx.msk @!p0 $0xffff, v1  }
0xf6: {  	v2 =	vld @!p0 [tilespmem:s17+$0xFFFFFE60];
	_ =	sdelay $0x4  }
0xf7: {  	v2 =	vadd.s32 @!p0 $0x1000, v2;
	_ =	sdelay $0x4  }
0xf8: {  	[tilespmem:v2+s21+$0x0] =	vst.idx.msk @!p0 $0xffff, v1  }
0xf9: {  	v2 =	vld @!p0 [tilespmem:s17+$0xFFFFFE70];
	_ =	sdelay $0x4  }
0xfa: {  	v2 =	vadd.s32 @!p0 $0x1000, v2;
	_ =	sdelay $0x4  }
0xfb: {  	[tilespmem:v2+s21+$0x0] =	vst.idx.msk @!p0 $0xffff, v1  }
0xfc: {  	v2 =	vld @!p0 [tilespmem:s17+$0xFFFFFE80];
	_ =	sdelay $0x4  }
0xfd: {  	v2 =	vadd.s32 @!p0 $0x2000, v2;
	_ =	sdelay $0x4  }
0xfe: {  	[tilespmem:v2+s21+$0x0] =	vst.idx.msk @!p0 $0xffff, v1  }
0xff: {  	v2 =	vld @!p0 [tilespmem:s17+$0xFFFFFE90];
	_ =	sdelay $0x4  }
0x100: {  	v2 =	vadd.s32 @!p0 $0x2000, v2;
	_ =	sdelay $0x4  }
0x101: {  	[tilespmem:v2+s21+$0x0] =	vst.idx.msk @!p0 $0xffff, v1  }
0x102: {  	v2 =	vld @!p0 [tilespmem:s17+$0xFFFFFEA0];
	_ =	sdelay $0x4  }
0x103: {  	v2 =	vadd.s32 @!p0 $0x2000, v2;
	_ =	sdelay $0x4  }
0x104: {  	[tilespmem:v2+s21+$0x0] =	vst.idx.msk @!p0 $0xffff, v1  }
0x105: {  	v2 =	vld @!p0 [tilespmem:s17+$0xFFFFFEB0];
	_ =	sdelay $0x4  }
0x106: {  	v2 =	vadd.s32 @!p0 $0x2000, v2;
	_ =	sdelay $0x4  }
0x107: {  	[tilespmem:v2+s21+$0x0] =	vst.idx.msk @!p0 $0xffff, v1  }
0x108: {  	v2 =	vld @!p0 [tilespmem:s17+$0xFFFFFEC0];
	_ =	sdelay $0x4  }
0x109: {  	v2 =	vadd.s32 @!p0 $0x3000, v2;
	_ =	sdelay $0x4  }
0x10a: {  	[tilespmem:v2+s21+$0x0] =	vst.idx.msk @!p0 $0xffff, v1  }
0x10b: {  	v2 =	vld @!p0 [tilespmem:s17+$0xFFFFFED0];
	_ =	sdelay $0x4  }
0x10c: {  	v2 =	vadd.s32 @!p0 $0x3000, v2;
	_ =	sdelay $0x4  }
0x10d: {  	[tilespmem:v2+s21+$0x0] =	vst.idx.msk @!p0 $0xffff, v1  }
0x10e: {  	v2 =	vld @!p0 [tilespmem:s17+$0xFFFFFEE0];
	_ =	sdelay $0x4  }
0x10f: {  	v2 =	vadd.s32 @!p0 $0x3000, v2;
	_ =	sdelay $0x4  }
0x110: {  	[tilespmem:v2+s21+$0x0] =	vst.idx.msk @!p0 $0xffff, v1  }
0x111: {  	v2 =	vld @!p0 [tilespmem:s17+$0xFFFFFEF0];
	_ =	sdelay $0x4  }
0x112: {  	v2 =	vadd.s32 @!p0 $0x3000, v2;
	_ =	sdelay $0x4  }
0x113: {  	[tilespmem:v2+s21+$0x0] =	vst.idx.msk @!p0 $0xffff, v1  }
0x114: {  	v2 =	vld [tilespmem:s17+$0x200];
	_ =	sdelay $0x2  }
0x115: {  	v3 =	vld [tilespmem:s18+$0x0];
	_ =	sdelay $0x4  }
0x116: {  	[tilespmem:v2+s12+$0x0] =	vst.idx.msk $0xffff, v3  }
0x117: {  	v2 =	vld [tilespmem:s17+$0x210];
	_ =	sdelay $0x2  }
0x118: {  	v3 =	vld [tilespmem:s18+$0x10];
	_ =	sdelay $0x4  }
0x119: {  	[tilespmem:v2+s12+$0x0] =	vst.idx.msk $0xffff, v3  }
0x11a: {  	v2 =	vld [tilespmem:s17+$0x220];
	_ =	sdelay $0x2  }
0x11b: {  	v3 =	vld [tilespmem:s18+$0x20];
	_ =	sdelay $0x4  }
0x11c: {  	[tilespmem:v2+s12+$0x0] =	vst.idx.msk $0xffff, v3  }
0x11d: {  	v2 =	vld [tilespmem:s17+$0x230];
	_ =	sdelay $0x2  }
0x11e: {  	v3 =	vld [tilespmem:s18+$0x30];
	_ =	sdelay $0x4  }
0x11f: {  	[tilespmem:v2+s12+$0x0] =	vst.idx.msk $0xffff, v3  }
0x120: {  	v2 =	vld [tilespmem:s17+$0x240];
	_ =	sdelay $0x4  }
0x121: {  	v3 =	vld [tilespmem:s18+$0x40];
	v2 =	vadd.s32 $0x1000, v2;
	_ =	sdelay $0x4  }
0x122: {  	[tilespmem:v2+s12+$0x0] =	vst.idx.msk $0xffff, v3  }
0x123: {  	v2 =	vld [tilespmem:s17+$0x250];
	_ =	sdelay $0x4  }
0x124: {  	v3 =	vld [tilespmem:s18+$0x50];
	v2 =	vadd.s32 $0x1000, v2;
	_ =	sdelay $0x4  }
0x125: {  	[tilespmem:v2+s12+$0x0] =	vst.idx.msk $0xffff, v3  }
0x126: {  	v2 =	vld [tilespmem:s17+$0x260];
	_ =	sdelay $0x4  }
0x127: {  	v3 =	vld [tilespmem:s18+$0x60];
	v2 =	vadd.s32 $0x1000, v2;
	_ =	sdelay $0x4  }
0x128: {  	[tilespmem:v2+s12+$0x0] =	vst.idx.msk $0xffff, v3  }
0x129: {  	v2 =	vld [tilespmem:s17+$0x270];
	_ =	sdelay $0x4  }
0x12a: {  	v3 =	vld [tilespmem:s18+$0x70];
	v2 =	vadd.s32 $0x1000, v2;
	_ =	sdelay $0x4  }
0x12b: {  	[tilespmem:v2+s12+$0x0] =	vst.idx.msk $0xffff, v3  }
0x12c: {  	v2 =	vld [tilespmem:s17+$0x280];
	_ =	sdelay $0x4  }
0x12d: {  	v3 =	vld [tilespmem:s18+$0x80];
	v2 =	vadd.s32 $0x2000, v2;
	_ =	sdelay $0x4  }
0x12e: {  	[tilespmem:v2+s12+$0x0] =	vst.idx.msk $0xffff, v3  }
0x12f: {  	v2 =	vld [tilespmem:s17+$0x290];
	_ =	sdelay $0x4  }
0x130: {  	v3 =	vld [tilespmem:s18+$0x90];
	v2 =	vadd.s32 $0x2000, v2;
	_ =	sdelay $0x4  }
0x131: {  	[tilespmem:v2+s12+$0x0] =	vst.idx.msk $0xffff, v3  }
0x132: {  	v2 =	vld [tilespmem:s17+$0x2A0];
	_ =	sdelay $0x4  }
0x133: {  	v3 =	vld [tilespmem:s18+$0xA0];
	v2 =	vadd.s32 $0x2000, v2;
	_ =	sdelay $0x4  }
0x134: {  	[tilespmem:v2+s12+$0x0] =	vst.idx.msk $0xffff, v3  }
0x135: {  	v2 =	vld [tilespmem:s17+$0x2B0];
	_ =	sdelay $0x4  }
0x136: {  	v3 =	vld [tilespmem:s18+$0xB0];
	v2 =	vadd.s32 $0x2000, v2;
	_ =	sdelay $0x4  }
0x137: {  	[tilespmem:v2+s12+$0x0] =	vst.idx.msk $0xffff, v3  }
0x138: {  	v2 =	vld [tilespmem:s17+$0x2C0];
	_ =	sdelay $0x4  }
0x139: {  	v3 =	vld [tilespmem:s18+$0xC0];
	v2 =	vadd.s32 $0x3000, v2;
	_ =	sdelay $0x4  }
0x13a: {  	[tilespmem:v2+s12+$0x0] =	vst.idx.msk $0xffff, v3  }
0x13b: {  	v2 =	vld [tilespmem:s17+$0x2D0];
	_ =	sdelay $0x4  }
0x13c: {  	v3 =	vld [tilespmem:s18+$0xD0];
	v2 =	vadd.s32 $0x3000, v2;
	_ =	sdelay $0x4  }
0x13d: {  	[tilespmem:v2+s12+$0x0] =	vst.idx.msk $0xffff, v3  }
0x13e: {  	v2 =	vld [tilespmem:s17+$0x2E0];
	_ =	sdelay $0x4  }
0x13f: {  	v3 =	vld [tilespmem:s18+$0xE0];
	v2 =	vadd.s32 $0x3000, v2;
	_ =	sdelay $0x4  }
0x140: {  	[tilespmem:v2+s12+$0x0] =	vst.idx.msk $0xffff, v3  }
0x141: {  	v2 =	vld [tilespmem:s17+$0x2F0];
	_ =	sdelay $0x4  }
0x142: {  	v3 =	vld [tilespmem:s18+$0xF0];
	v2 =	vadd.s32 $0x3000, v2;
	_ =	sdelay $0x4  }
0x143: {  	s31 =	sadd.s32 $0x1000, s29;
	s21 =	simm.s32 @!p0 $0x4;
	[tilespmem:v2+s12+$0x0] =	vst.idx.msk $0xffff, v3  }
0x144: {  	[hbm4b:s31+s2] =	stream.linear.scatter [tilespmem:s12], [sflag:$0x3], $0x4000, $0x38;
	[tilespmem:$0x14000] =	vst v63  }
0x145: {  	_ =	swait.ge @!p0 [sflag:s21], $0x4000  }
0x146: {  	[sflag:s21] =	ssyncset.done @!p0 $0x0  }
0x147: {  	[sflag:s21] =	ssyncadd.s32 @!p0 $0xFFFFC000  }
0x148: {  	v2 =	vld @!p0 [tilespmem:s17+$0xFFFFFF00];
	_ =	sdelay $0x6  }
0x149: {  	s21 =	simm.s32 @!p0 $0x10000  }
0x14a: {  	[tilespmem:v2+s21+$0x0] =	vst.idx.msk @!p0 $0xffff, v1  }
0x14b: {  	v2 =	vld @!p0 [tilespmem:s17+$0xFFFFFF10];
	_ =	sdelay $0x7  }
0x14c: {  	[tilespmem:v2+s21+$0x0] =	vst.idx.msk @!p0 $0xffff, v1  }
0x14d: {  	v2 =	vld @!p0 [tilespmem:s17+$0xFFFFFF20];
	_ =	sdelay $0x7  }
0x14e: {  	[tilespmem:v2+s21+$0x0] =	vst.idx.msk @!p0 $0xffff, v1  }
0x14f: {  	v2 =	vld @!p0 [tilespmem:s17+$0xFFFFFF30];
	_ =	sdelay $0x7  }
0x150: {  	[tilespmem:v2+s21+$0x0] =	vst.idx.msk @!p0 $0xffff, v1  }
0x151: {  	v2 =	vld @!p0 [tilespmem:s17+$0xFFFFFF40];
	_ =	sdelay $0x4  }
0x152: {  	v2 =	vadd.s32 @!p0 $0x1000, v2;
	_ =	sdelay $0x4  }
0x153: {  	[tilespmem:v2+s21+$0x0] =	vst.idx.msk @!p0 $0xffff, v1  }
0x154: {  	v2 =	vld @!p0 [tilespmem:s17+$0xFFFFFF50];
	_ =	sdelay $0x4  }
0x155: {  	v2 =	vadd.s32 @!p0 $0x1000, v2;
	_ =	sdelay $0x4  }
0x156: {  	[tilespmem:v2+s21+$0x0] =	vst.idx.msk @!p0 $0xffff, v1  }
0x157: {  	v2 =	vld @!p0 [tilespmem:s17+$0xFFFFFF60];
	_ =	sdelay $0x4  }
0x158: {  	v2 =	vadd.s32 @!p0 $0x1000, v2;
	_ =	sdelay $0x4  }
0x159: {  	[tilespmem:v2+s21+$0x0] =	vst.idx.msk @!p0 $0xffff, v1  }
0x15a: {  	v2 =	vld @!p0 [tilespmem:s17+$0xFFFFFF70];
	_ =	sdelay $0x4  }
0x15b: {  	v2 =	vadd.s32 @!p0 $0x1000, v2;
	_ =	sdelay $0x4  }
0x15c: {  	[tilespmem:v2+s21+$0x0] =	vst.idx.msk @!p0 $0xffff, v1  }
0x15d: {  	v2 =	vld @!p0 [tilespmem:s17+$0xFFFFFF80];
	_ =	sdelay $0x4  }
0x15e: {  	v2 =	vadd.s32 @!p0 $0x2000, v2;
	_ =	sdelay $0x4  }
0x15f: {  	[tilespmem:v2+s21+$0x0] =	vst.idx.msk @!p0 $0xffff, v1  }
0x160: {  	v2 =	vld @!p0 [tilespmem:s17+$0xFFFFFF90];
	_ =	sdelay $0x4  }
0x161: {  	v2 =	vadd.s32 @!p0 $0x2000, v2;
	_ =	sdelay $0x4  }
0x162: {  	[tilespmem:v2+s21+$0x0] =	vst.idx.msk @!p0 $0xffff, v1  }
0x163: {  	v2 =	vld @!p0 [tilespmem:s17+$0xFFFFFFA0];
	_ =	sdelay $0x4  }
0x164: {  	v2 =	vadd.s32 @!p0 $0x2000, v2;
	_ =	sdelay $0x4  }
0x165: {  	[tilespmem:v2+s21+$0x0] =	vst.idx.msk @!p0 $0xffff, v1  }
0x166: {  	v2 =	vld @!p0 [tilespmem:s17+$0xFFFFFFB0];
	_ =	sdelay $0x4  }
0x167: {  	v2 =	vadd.s32 @!p0 $0x2000, v2;
	_ =	sdelay $0x4  }
0x168: {  	[tilespmem:v2+s21+$0x0] =	vst.idx.msk @!p0 $0xffff, v1  }
0x169: {  	v2 =	vld @!p0 [tilespmem:s17+$0xFFFFFFC0];
	_ =	sdelay $0x4  }
0x16a: {  	v2 =	vadd.s32 @!p0 $0x3000, v2;
	_ =	sdelay $0x4  }
0x16b: {  	[tilespmem:v2+s21+$0x0] =	vst.idx.msk @!p0 $0xffff, v1  }
0x16c: {  	v2 =	vld @!p0 [tilespmem:s17+$0xFFFFFFD0];
	_ =	sdelay $0x4  }
0x16d: {  	v2 =	vadd.s32 @!p0 $0x3000, v2;
	_ =	sdelay $0x4  }
0x16e: {  	[tilespmem:v2+s21+$0x0] =	vst.idx.msk @!p0 $0xffff, v1  }
0x16f: {  	v2 =	vld @!p0 [tilespmem:s17+$0xFFFFFFE0];
	_ =	sdelay $0x4  }
0x170: {  	v2 =	vadd.s32 @!p0 $0x3000, v2;
	_ =	sdelay $0x4  }
0x171: {  	[tilespmem:v2+s21+$0x0] =	vst.idx.msk @!p0 $0xffff, v1  }
0x172: {  	v2 =	vld @!p0 [tilespmem:s17+$0xFFFFFFF0];
	_ =	sdelay $0x4  }
0x173: {  	v2 =	vadd.s32 @!p0 $0x3000, v2;
	_ =	sdelay $0x4  }
0x174: {  	[tilespmem:v2+s21+$0x0] =	vst.idx.msk @!p0 $0xffff, v1  }
0x175: {  	v1 =	vld [tilespmem:s17+$0x300];
	_ =	sdelay $0x2  }
0x176: {  	v2 =	vld [tilespmem:s18+$0x100];
	_ =	sdelay $0x4  }
0x177: {  	[tilespmem:v1+s13+$0x0] =	vst.idx.msk $0xffff, v2  }
0x178: {  	v1 =	vld [tilespmem:s17+$0x310];
	_ =	sdelay $0x2  }
0x179: {  	v2 =	vld [tilespmem:s18+$0x110];
	_ =	sdelay $0x4  }
0x17a: {  	[tilespmem:v1+s13+$0x0] =	vst.idx.msk $0xffff, v2  }
0x17b: {  	v1 =	vld [tilespmem:s17+$0x320];
	_ =	sdelay $0x2  }
0x17c: {  	v2 =	vld [tilespmem:s18+$0x120];
	_ =	sdelay $0x4  }
0x17d: {  	[tilespmem:v1+s13+$0x0] =	vst.idx.msk $0xffff, v2  }
0x17e: {  	v1 =	vld [tilespmem:s17+$0x330];
	_ =	sdelay $0x2  }
0x17f: {  	v2 =	vld [tilespmem:s18+$0x130];
	_ =	sdelay $0x4  }
0x180: {  	[tilespmem:v1+s13+$0x0] =	vst.idx.msk $0xffff, v2  }
0x181: {  	v1 =	vld [tilespmem:s17+$0x340];
	_ =	sdelay $0x4  }
0x182: {  	v2 =	vld [tilespmem:s18+$0x140];
	v1 =	vadd.s32 $0x1000, v1;
	_ =	sdelay $0x4  }
0x183: {  	[tilespmem:v1+s13+$0x0] =	vst.idx.msk $0xffff, v2  }
0x184: {  	v1 =	vld [tilespmem:s17+$0x350];
	_ =	sdelay $0x4  }
0x185: {  	v2 =	vld [tilespmem:s18+$0x150];
	v1 =	vadd.s32 $0x1000, v1;
	_ =	sdelay $0x4  }
0x186: {  	[tilespmem:v1+s13+$0x0] =	vst.idx.msk $0xffff, v2  }
0x187: {  	v1 =	vld [tilespmem:s17+$0x360];
	_ =	sdelay $0x4  }
0x188: {  	v2 =	vld [tilespmem:s18+$0x160];
	v1 =	vadd.s32 $0x1000, v1;
	_ =	sdelay $0x4  }
0x189: {  	[tilespmem:v1+s13+$0x0] =	vst.idx.msk $0xffff, v2  }
0x18a: {  	v1 =	vld [tilespmem:s17+$0x370];
	_ =	sdelay $0x4  }
0x18b: {  	v2 =	vld [tilespmem:s18+$0x170];
	v1 =	vadd.s32 $0x1000, v1;
	_ =	sdelay $0x4  }
0x18c: {  	[tilespmem:v1+s13+$0x0] =	vst.idx.msk $0xffff, v2  }
0x18d: {  	v1 =	vld [tilespmem:s17+$0x380];
	_ =	sdelay $0x4  }
0x18e: {  	v2 =	vld [tilespmem:s18+$0x180];
	v1 =	vadd.s32 $0x2000, v1;
	_ =	sdelay $0x4  }
0x18f: {  	[tilespmem:v1+s13+$0x0] =	vst.idx.msk $0xffff, v2  }
0x190: {  	v1 =	vld [tilespmem:s17+$0x390];
	_ =	sdelay $0x4  }
0x191: {  	v2 =	vld [tilespmem:s18+$0x190];
	v1 =	vadd.s32 $0x2000, v1;
	_ =	sdelay $0x4  }
0x192: {  	[tilespmem:v1+s13+$0x0] =	vst.idx.msk $0xffff, v2  }
0x193: {  	v1 =	vld [tilespmem:s17+$0x3A0];
	_ =	sdelay $0x4  }
0x194: {  	v2 =	vld [tilespmem:s18+$0x1A0];
	v1 =	vadd.s32 $0x2000, v1;
	_ =	sdelay $0x4  }
0x195: {  	[tilespmem:v1+s13+$0x0] =	vst.idx.msk $0xffff, v2  }
0x196: {  	v1 =	vld [tilespmem:s17+$0x3B0];
	_ =	sdelay $0x4  }
0x197: {  	v2 =	vld [tilespmem:s18+$0x1B0];
	v1 =	vadd.s32 $0x2000, v1;
	_ =	sdelay $0x4  }
0x198: {  	[tilespmem:v1+s13+$0x0] =	vst.idx.msk $0xffff, v2  }
0x199: {  	v1 =	vld [tilespmem:s17+$0x3C0];
	_ =	sdelay $0x4  }
0x19a: {  	v2 =	vld [tilespmem:s18+$0x1C0];
	v1 =	vadd.s32 $0x3000, v1;
	_ =	sdelay $0x4  }
0x19b: {  	[tilespmem:v1+s13+$0x0] =	vst.idx.msk $0xffff, v2  }
0x19c: {  	v1 =	vld [tilespmem:s17+$0x3D0];
	_ =	sdelay $0x4  }
0x19d: {  	v2 =	vld [tilespmem:s18+$0x1D0];
	v1 =	vadd.s32 $0x3000, v1;
	_ =	sdelay $0x4  }
0x19e: {  	[tilespmem:v1+s13+$0x0] =	vst.idx.msk $0xffff, v2  }
0x19f: {  	v1 =	vld [tilespmem:s17+$0x3E0];
	_ =	sdelay $0x4  }
0x1a0: {  	v2 =	vld [tilespmem:s18+$0x1E0];
	v1 =	vadd.s32 $0x3000, v1;
	_ =	sdelay $0x4  }
0x1a1: {  	[tilespmem:v1+s13+$0x0] =	vst.idx.msk $0xffff, v2  }
0x1a2: {  	v1 =	vld [tilespmem:s17+$0x3F0];
	_ =	sdelay $0x4  }
0x1a3: {  	s19 =	sadd.s32 $0x2000, s19;
	v2 =	vld [tilespmem:s18+$0x1F0];
	v1 =	vadd.s32 $0x3000, v1  }
0x1a4: {  	p0 =	sne.s32 s19, $0x10000  }
.Ltmp1:
0x1a5: {  	_ = 	snop;
	(pc) =	sbr.rel @p0 .LBB2_4-.Ltmp1, $3  }
0x1a6: {  	_ =	sdelay $0x1  }
0x1a7: {  	s20 =	sadd.s32 $0x1800, s29;
	s17 =	sadd.s32 $0x400, s17;
	s18 =	sadd.s32 $0x400, s18;
	[tilespmem:v1+s13+$0x0] =	vst.idx.msk $0xffff, v2  }
0x1a8: {  	[hbm4b:s20+s2] =	stream.linear.scatter [tilespmem:s13], [sflag:$0x4], $0x4000, $0x38;
	[tilespmem:$0x14000] =	vst v63  }
0x1a9: {  	_ =	swait.ge [sflag:s8], $0x4000  }
0x1aa: {  	[sflag:s8] =	ssyncset.done $0x0  }
0x1ab: {  	[sflag:s8] =	ssyncadd.s32 $0xFFFFC000  }
0x1ac: {  	_ =	swait.ge [sflag:s9], $0x4000  }
0x1ad: {  	[sflag:s9] =	ssyncset.done $0x0  }
0x1ae: {  	s16 =	sadd.s32 $0x1, s16;
	[sflag:s9] =	ssyncadd.s32 $0xFFFFC000  }
0x1af: {  	p0 =	sne.s32 s16, s5;
	_ =	swait.ge [sflag:s14], $0x4000  }
.Ltmp2:
0x1b0: {  	[sflag:s14] =	ssyncset.done $0x0;
	(pc) =	sbr.rel @p0 .LBB2_1-.Ltmp2, $4  }
0x1b1: {  	[sflag:s14] =	ssyncadd.s32 $0xFFFFC000  }
0x1b2: {  	_ =	swait.ge [sflag:s15], $0x4000  }
0x1b3: {  	[sflag:s15] =	ssyncset.done $0x0  }
0x1b4: {  	[sflag:s15] =	ssyncadd.s32 $0xFFFFC000  }
0x1b5: {  	_ =	sfence.sel $0x180000  }
0x1b6: {  	[bflag:$0x0] =	sbarrier.arrive $0xFFFF  }
0x1b7: {  	p0 =	sne.s32 s1, $0x0;
	_ =	strace $0x90000047  }
0x1b8: {  	s0 =	sadd.s32 @!p0 $0x100000, s0;
	[bflag:$0x2] =	sbarrier.arrive $0xFFFF  }
0x1b9: {  	[sflag:s0] =	ssyncadd.tile.s32 @!p0 $0x1;
	_ =	shalt  }
.Lfunc_end2:
_tile_overlayer_lowered:
.L_overlay_start_2:
0x1ba: {  	(tag) =	ssettag $0x2  }
0x1bb: {  	s0 =	rddreg [dreg:$0x0];
	s2 =	stileid.u32  }
0x1bc: {  	s1 =	rddreg [dreg:$0x1];
	p0 =	sne.s32 s2, $0x0  }
0x1bd: {  	s3 =	rddreg [dreg:$0x2];
	[bflag:$0x3] =	sbarrier.arrive $0xFFFF;
	s2 =	simm.s32 @!p0 $0x1C05  }
0x1be: {  	[timem:s3], [sflag:s2] =	dma.local @!p0 [hbm:s0], s1  }
0x1bf: {  	s0 =	simm.s32 @!p0 $0x5  }
0x1c0: {  	_ =	swait.ge @!p0 [sflag:s0], s1  }
0x1c1: {  	s1 =	ssub.s32 @!p0 $0x0, s1;
	[sflag:s0] =	ssyncset.done @!p0 $0x0  }
0x1c2: {  	[sflag:s0] =	ssyncadd.s32 @!p0 s1  }
0x1c3: {  	[bflag:$0x3] =	sbarrier.arrive $0xFFFF  }
0x1c4: {  	_ =	shalt  }

</sc_bundles>
